<compile_context>
chip_gen: v7x
topology: tpu7x:2x2x1
jax: 0.10.2.dev20260603
libtpu: 0.0.44.dev20260713+nightly
codegen_flags: <defaults>
</compile_context>

<pallas_src>
import functools

import numpy as np
import jax
import jax.numpy as jnp
from jax import lax
from jax.experimental import pallas as pl
from jax.experimental.pallas import tpu as pltpu
from jax.experimental.pallas import tpu_sc as plsc

CUT = 8.0
H = 8
DH = 16
NW = 32
KC = 128
EB = 2560
NB = 1000


def _sc_gather(x, src, dst):
    n, d = x.shape
    dt = x.dtype
    e = src.shape[0]
    ew = e // NW
    nfull = ew // KC
    tail = ew - nfull * KC
    mesh = plsc.VectorSubcoreMesh(core_axis_name="c", subcore_axis_name="s")

    assert nfull % 2 == 0

    @functools.partial(
        pl.kernel,
        out_type=(jax.ShapeDtypeStruct((e, d), dt),
                  jax.ShapeDtypeStruct((e, d), dt)),
        mesh=mesh,
        scratch_types=[
            pltpu.VMEM((ew,), jnp.int32),
            pltpu.VMEM((ew,), jnp.int32),
            pltpu.VMEM((KC, d), dt),
            pltpu.VMEM((KC, d), dt),
            pltpu.VMEM((KC, d), dt),
            pltpu.VMEM((KC, d), dt),
            pltpu.SemaphoreType.DMA,
            pltpu.SemaphoreType.DMA,
            pltpu.SemaphoreType.DMA,
            pltpu.SemaphoreType.DMA,
        ],
    )
    def k(x_hbm, s_hbm, d_hbm, xs_hbm, xd_hbm,
          sv, dv, bs0, bd0, bs1, bd1, ss0, sd0, ss1, sd1):
        wid = lax.axis_index("s") * 2 + lax.axis_index("c")
        base = pl.multiple_of(wid * ew, 8)
        pltpu.sync_copy(s_hbm.at[pl.ds(base, ew)], sv)
        pltpu.sync_copy(d_hbm.at[pl.ds(base, ew)], dv)

        bufs = ((bs0, bd0, ss0, sd0), (bs1, bd1, ss1, sd1))

        def start(ci, b):
            bs, bd, ss, sd = bufs[b]
            off = pl.multiple_of(ci * KC, 8)
            pltpu.async_copy(x_hbm.at[sv.at[pl.ds(off, KC)]], bs, ss)
            pltpu.async_copy(x_hbm.at[dv.at[pl.ds(off, KC)]], bd, sd)

        def drain(ci, b):
            bs, bd, ss, sd = bufs[b]
            off = pl.multiple_of(ci * KC, 8)
            pltpu.make_async_copy(x_hbm.at[pl.ds(0, KC)], bs, ss).wait()
            pltpu.sync_copy(bs, xs_hbm.at[pl.ds(base + off, KC)])
            pltpu.make_async_copy(x_hbm.at[pl.ds(0, KC)], bd, sd).wait()
            pltpu.sync_copy(bd, xd_hbm.at[pl.ds(base + off, KC)])

        start(0, 0)

        def body(i, carry):
            ci = i * 2
            start(ci + 1, 1)
            drain(ci, 0)

            @pl.when(ci + 2 < nfull)
            def _():
                start(ci + 2, 0)

            drain(ci + 1, 1)
            return carry

        lax.fori_loop(0, nfull // 2, body, 0)
        if tail:
            off = pl.multiple_of(nfull * KC, 8)
            pltpu.async_copy(x_hbm.at[sv.at[pl.ds(off, tail)]],
                             bs0.at[pl.ds(0, tail)], ss0).wait()
            pltpu.sync_copy(bs0.at[pl.ds(0, tail)],
                            xs_hbm.at[pl.ds(base + off, tail)])
            pltpu.async_copy(x_hbm.at[dv.at[pl.ds(off, tail)]],
                             bd0.at[pl.ds(0, tail)], sd0).wait()
            pltpu.sync_copy(bd0.at[pl.ds(0, tail)],
                            xd_hbm.at[pl.ds(base + off, tail)])

    return k(x, src, dst)


def _tc_prep(r2d):
    rows, lanes = r2d.shape

    def body(r_ref, rr_ref, cc_ref):
        rp = r_ref[...] * CUT
        ccp = 0.5 * (jnp.cos(rp * (np.pi / CUT)) + 1.0)
        rr_ref[...] = rp
        cc_ref[...] = jnp.where(rp < CUT, ccp, 0.0)

    return pl.pallas_call(
        body,
        out_shape=[
            jax.ShapeDtypeStruct((rows, lanes), jnp.float32),
            jax.ShapeDtypeStruct((rows, lanes), jnp.float32),
        ],
    )(r2d)


def _tc_edge(r2, cc2, xs, xd, W1, b1, Wr1, br1, Wr2, br2, Wq, Wk, Wv, S16, ST16):
    e, d = xs.shape
    g = W1.shape[0]
    width = CUT / (g - 1)
    grid = e // EB

    def body(r_ref, cc_ref, xs_ref, xd_ref, W1_ref, b1_ref, Wr1_ref, br1_ref,
             Wr2_ref, br2_ref, Wq_ref, Wk_ref, Wv_ref, S_ref, ST_ref,
             w_ref, ex_ref):
        r = r_ref[...]
        cc = cc_ref[...]
        cols = lax.broadcasted_iota(jnp.int32, (EB, g), 1).astype(jnp.float32) * width
        f = jnp.exp(-0.5 * ((r - cols) * (1.0 / width)) ** 2)
        wlin = jnp.dot(f, W1_ref[...],
                       preferred_element_type=jnp.float32) + b1_ref[...]
        h1 = jnp.dot(f, Wr1_ref[...],
                     preferred_element_type=jnp.float32) + br1_ref[...]
        sp = jnp.log(jnp.exp(h1) + 1.0) - np.float32(np.log(2.0))
        wres = jnp.dot(sp, Wr2_ref[...],
                       preferred_element_type=jnp.float32) + br2_ref[...]
        wf = (wlin + wres) * cc
        m = xs_ref[...].astype(jnp.float32) * wf
        q = jnp.dot(xd_ref[...].astype(jnp.float32), Wq_ref[...],
                    preferred_element_type=jnp.float32)
        kk = jnp.dot(m, Wk_ref[...], preferred_element_type=jnp.float32)
        vv = jnp.dot(m, Wv_ref[...], preferred_element_type=jnp.float32)
        lg = jnp.dot(q * kk, S_ref[...],
                     preferred_element_type=jnp.float32) * (1.0 / np.sqrt(DH))
        lane = lax.broadcasted_iota(jnp.int32, (EB, 2 * H), 1)
        ex = jnp.where(lane < H, jnp.exp(lg) * cc, 0.0)
        exf = jnp.dot(ex, ST_ref[...], preferred_element_type=jnp.float32)
        w_ref[...] = vv * exf
        ex_ref[...] = exf

    full = lambda shape: pl.BlockSpec(shape, lambda i: (0, 0))
    return pl.pallas_call(
        body,
        grid=(grid,),
        in_specs=[
            pl.BlockSpec((EB, 1), lambda i: (i, 0)),
            pl.BlockSpec((EB, 1), lambda i: (i, 0)),
            pl.BlockSpec((EB, d), lambda i: (i, 0)),
            pl.BlockSpec((EB, d), lambda i: (i, 0)),
            full((g, d)), full((1, d)), full((g, d)), full((1, d)),
            full((d, d)), full((1, d)), full((d, d)), full((d, d)),
            full((d, d)), full((d, 2 * H)), full((2 * H, d)),
        ],
        out_specs=[
            pl.BlockSpec((EB, d), lambda i: (i, 0)),
            pl.BlockSpec((EB, d), lambda i: (i, 0)),
        ],
        out_shape=[
            jax.ShapeDtypeStruct((e, d), jnp.float32),
            jax.ShapeDtypeStruct((e, d), jnp.float32),
        ],
    )(r2, cc2, xs, xd, W1, b1, Wr1, br1, Wr2, br2, Wq, Wk, Wv, S16, ST16)


def _sc_scatter(dst, w, zn):
    e, d = w.shape
    n = zn.shape[0]
    ew = e // NW
    nfull = ew // KC
    tail = ew - nfull * KC
    mesh = plsc.VectorSubcoreMesh(core_axis_name="c", subcore_axis_name="s")

    assert nfull % 2 == 0

    @functools.partial(
        pl.kernel,
        out_type=jax.ShapeDtypeStruct((2, n, d), jnp.float32),
        mesh=mesh,
        scratch_types=[
            pltpu.VMEM((KC,), jnp.int32),
            pltpu.VMEM((KC, d), jnp.float32),
            pltpu.VMEM((KC,), jnp.int32),
            pltpu.VMEM((KC, d), jnp.float32),
            pltpu.VMEM((max(tail, 8),), jnp.int32),
            pltpu.VMEM((max(tail, 8), d), jnp.float32),
            pltpu.VMEM_SHARED((n, d), jnp.float32),
            pltpu.SemaphoreType.DMA,
            pltpu.SemaphoreType.DMA,
            pltpu.SemaphoreType.DMA,
            pltpu.SemaphoreType.DMA,
        ],
    )
    def k(d_hbm, w_hbm, zn_hbm, on_hbm,
          iv0, wb0, iv1, wb1, iv8, wb8, accn, si0, sw0, si1, sw1):
        c = lax.axis_index("c")
        s = lax.axis_index("s")
        wid = s * 2 + c
        base = pl.multiple_of(wid * ew, 8)

        @pl.when(s == 0)
        def _():
            pltpu.sync_copy(zn_hbm, accn)

        plsc.subcore_barrier()

        bufs = ((iv0, wb0, si0, sw0), (iv1, wb1, si1, sw1))

        def start(ci, b):
            iv, wb, si, sw = bufs[b]
            off = pl.multiple_of(base + ci * KC, 8)
            pltpu.async_copy(d_hbm.at[pl.ds(off, KC)], iv, si)
            pltpu.async_copy(w_hbm.at[pl.ds(off, KC)], wb, sw)

        def drain(b):
            iv, wb, si, sw = bufs[b]
            pltpu.make_async_copy(d_hbm.at[pl.ds(0, KC)], iv, si).wait()
            pltpu.make_async_copy(w_hbm.at[pl.ds(0, KC)], wb, sw).wait()
            pltpu.sync_copy(wb, accn.at[iv], add=True)

        start(0, 0)

        def body(i, carry):
            ci = i * 2
            start(ci + 1, 1)
            drain(0)

            @pl.when(ci + 2 < nfull)
            def _():
                start(ci + 2, 0)

            drain(1)
            return carry

        lax.fori_loop(0, nfull // 2, body, 0)
        if tail:
            off = pl.multiple_of(base + nfull * KC, 8)
            pltpu.sync_copy(d_hbm.at[pl.ds(off, tail)], iv8)
            pltpu.sync_copy(w_hbm.at[pl.ds(off, tail)], wb8)
            pltpu.sync_copy(wb8, accn.at[iv8], add=True)

        plsc.subcore_barrier()

        @pl.when(s == 0)
        def _():
            pltpu.sync_copy(accn, on_hbm.at[c])

    return k(dst, w, zn)


def _tc_final(n0, n1, d0, d1, x, Wo, g, b):
    n, d = x.shape
    grid = n // NB

    def body(n0_ref, n1_ref, d0_ref, d1_ref, x_ref, Wo_ref, g_ref,
             b_ref, o_ref):
        denf = d0_ref[...] + d1_ref[...] + 1e-9
        agg = (n0_ref[...] + n1_ref[...]) / denf
        vout = jnp.dot(agg, Wo_ref[...], preferred_element_type=jnp.float32)
        x2 = x_ref[...] + vout
        mu = jnp.mean(x2, axis=-1, keepdims=True)
        xc = x2 - mu
        var = jnp.mean(xc * xc, axis=-1, keepdims=True)
        o_ref[...] = xc * lax.rsqrt(var + 1e-5) * g_ref[...] + b_ref[...]

    full = lambda shape: pl.BlockSpec(shape, lambda i: (0, 0))
    return pl.pallas_call(
        body,
        grid=(grid,),
        in_specs=[
            pl.BlockSpec((NB, d), lambda i: (i, 0)),
            pl.BlockSpec((NB, d), lambda i: (i, 0)),
            pl.BlockSpec((NB, d), lambda i: (i, 0)),
            pl.BlockSpec((NB, d), lambda i: (i, 0)),
            pl.BlockSpec((NB, d), lambda i: (i, 0)),
            full((d, d)), full((1, d)), full((1, d)),
        ],
        out_specs=pl.BlockSpec((NB, d), lambda i: (i, 0)),
        out_shape=jax.ShapeDtypeStruct((n, d), jnp.float32),
    )(n0, n1, d0, d1, x, Wo, g, b)


def kernel(x, edge_index, r_ij, t, W1, b1, Wr1, br1, Wr2, br2,
           Wq, Wk, Wv, Wo, ln_g, ln_b):
    n, d = x.shape
    e = r_ij.shape[0]
    ei = edge_index.astype(jnp.int32)
    dst = ei[0]
    src = ei[1]

    hs = np.arange(2 * H)
    S16 = jnp.asarray((np.arange(d)[:, None] // DH == hs[None, :])
                      .astype(np.float32))
    ST16 = jnp.asarray(S16.T)

    xs, xd = _sc_gather(x, src, dst)
    rr, cc = _tc_prep(r_ij.reshape(e // 128, 128))
    w, exf = _tc_edge(rr.reshape(e, 1), cc.reshape(e, 1), xs, xd,
                      W1, b1.reshape(1, d), Wr1, br1.reshape(1, d),
                      Wr2, br2.reshape(1, d), Wq, Wk, Wv, S16, ST16)
    zn = jnp.zeros((n, d), jnp.float32)
    on = _sc_scatter(dst, w, zn)
    od = _sc_scatter(dst, exf, zn)
    return _tc_final(on[0], on[1], od[0], od[1], x, Wo,
                     ln_g.reshape(1, d), ln_b.reshape(1, d))

# --- scband reference (transcript-rebuilt; emitter-appended) ---
"""Pipeline reference for scband-tdt-interaction-9216999817555 (READ-ONLY COPY).

The authoritative reference and input builder live on the scoring server;
editing this copy changes nothing except your own understanding.
"""

import jax, jax.numpy as jnp
import numpy as np

N = 10000
E = 320000
D = 128      # n_atom_basis
G = 64       # n_gaussians
H = 8        # n_heads
DH = D // H
CUT = 8.0


def setup_inputs(seed: int = 0) -> dict:
    key = jax.random.key(seed)
    ks = jax.random.split(key, 16)
    x = jax.random.normal(ks[0], (N, D), dtype=jnp.float32)
    edge_index = jax.random.randint(ks[1], (2, E), 0, N, dtype=jnp.int64)
    r_ij = jax.random.uniform(ks[2], (E,), dtype=jnp.float32)
    t = jax.random.uniform(ks[3], (1,), dtype=jnp.float32)
    sg = 1.0 / np.sqrt(G)
    sd = 1.0 / np.sqrt(D)
    W1 = jax.random.normal(ks[4], (G, D), dtype=jnp.float32) * sg
    b1 = jnp.zeros((D,), jnp.float32)
    Wr1 = jax.random.normal(ks[5], (G, D), dtype=jnp.float32) * sg
    br1 = jnp.zeros((D,), jnp.float32)
    Wr2 = jax.random.normal(ks[6], (D, D), dtype=jnp.float32) * sd
    br2 = jnp.zeros((D,), jnp.float32)
    Wq = jax.random.normal(ks[7], (D, D), dtype=jnp.float32) * sd
    Wk = jax.random.normal(ks[8], (D, D), dtype=jnp.float32) * sd
    Wv = jax.random.normal(ks[9], (D, D), dtype=jnp.float32) * sd
    Wo = jax.random.normal(ks[10], (D, D), dtype=jnp.float32) * sd
    ln_g = jnp.ones((D,), jnp.float32)
    ln_b = jnp.zeros((D,), jnp.float32)
    return {"x": x, "edge_index": edge_index, "r_ij": r_ij, "t": t,
            "W1": W1, "b1": b1, "Wr1": Wr1, "br1": br1, "Wr2": Wr2, "br2": br2,
            "Wq": Wq, "Wk": Wk, "Wv": Wv, "Wo": Wo, "ln_g": ln_g, "ln_b": ln_b}


def _ssp(y):
    # shifted softplus activation used in SchNet
    return jax.nn.softplus(y) - jnp.log(2.0)


def reference(x, edge_index, r_ij, t, W1, b1, Wr1, br1, Wr2, br2,
              Wq, Wk, Wv, Wo, ln_g, ln_b):
    dst = edge_index[0]
    src = edge_index[1]
    r = r_ij * CUT  # distances in [0, cutoff)
    # log-gaussian / gaussian radial basis expansion f_ij: [E, G]
    centers = jnp.linspace(0.0, CUT, G)
    width = centers[1] - centers[0]
    f = jnp.exp(-0.5 * ((r[:, None] - centers[None, :]) / width) ** 2)
    # filter-generating networks (linear + resnet branch)
    W_lin = f @ W1 + b1
    W_res = _ssp(f @ Wr1 + br1) @ Wr2 + br2
    # cosine cutoff
    C = 0.5 * (jnp.cos(r * jnp.pi / CUT) + 1.0) * (r < CUT).astype(jnp.float32)
    Wf = (W_lin + W_res) * C[:, None]
    # continuous-filter convolution messages: gather source features
    m = x[src] * Wf  # [E, D]
    # ego attention over neighbors per destination node
    q = (x @ Wq)[dst].reshape(E, H, DH)
    k = (m @ Wk).reshape(E, H, DH)
    v = (m @ Wv).reshape(E, H, DH)
    logits = jnp.sum(q * k, axis=-1) / jnp.sqrt(float(DH))  # [E, H]
    lmax = jax.ops.segment_max(logits, dst, num_segments=N)  # [N, H]
    lmax = jnp.where(jnp.isfinite(lmax), lmax, 0.0)
    ex = jnp.exp(logits - lmax[dst]) * C[:, None]  # soft neighbor mask via cutoff
    denom = jax.ops.segment_sum(ex, dst, num_segments=N) + 1e-9  # [N, H]
    alpha = ex / denom[dst]  # [E, H]
    agg = jax.ops.segment_sum(alpha[..., None] * v, dst, num_segments=N)  # [N, H, DH]
    vout = agg.reshape(N, D) @ Wo
    # residual update + post layer norm
    x2 = x + vout
    mu = jnp.mean(x2, axis=-1, keepdims=True)
    var = jnp.var(x2, axis=-1, keepdims=True)
    xn = (x2 - mu) / jnp.sqrt(var + 1e-5) * ln_g + ln_b
    return xn

if __name__ == "__main__":
    import jax
    _d = setup_inputs()
    print(jax.jit(kernel)(*tuple(_d.values())))

</pallas_src>

<mosaic_0001>
#map = affine_map<(d0, d1) -> (0)>
#map1 = affine_map<(d0, d1) -> (0, 0)>
#map2 = affine_map<(d0, d1) -> (0, 0, 0)>
module attributes {stable_mosaic.version = 14 : i64} {
  func.func @k(%arg0: i32, %arg1: i32, %arg2: memref<320000xi32, #tpu.memory_space<hbm>>, %arg3: memref<320000x128xf32, #tpu.memory_space<hbm>>, %arg4: memref<10000x128xf32, #tpu.memory_space<hbm>>, %arg5: memref<2x10000x128xf32, #tpu.memory_space<hbm>>, %arg6: memref<128xi32, #tpu.memory_space<vmem>>, %arg7: memref<128x128xf32, #tpu.memory_space<vmem>>, %arg8: memref<128xi32, #tpu.memory_space<vmem>>, %arg9: memref<128x128xf32, #tpu.memory_space<vmem>>, %arg10: memref<16xi32, #tpu.memory_space<vmem>>, %arg11: memref<16x128xf32, #tpu.memory_space<vmem>>, %arg12: memref<10000x128xf32, #tpu.memory_space<vmem_shared>>, %arg13: memref<!tpu.dma_semaphore, #tpu.memory_space<semaphore_mem>>, %arg14: memref<!tpu.dma_semaphore, #tpu.memory_space<semaphore_mem>>, %arg15: memref<!tpu.dma_semaphore, #tpu.memory_space<semaphore_mem>>, %arg16: memref<!tpu.dma_semaphore, #tpu.memory_space<semaphore_mem>>) attributes {dimension_semantics = [#tpu.dimension_semantics<core_parallel>, #tpu.dimension_semantics<subcore_parallel>], iteration_bounds = array<i64: 2, 16>, scalar_prefetch = 0 : i64, scratch_operands = 11 : i64, tpu.core_type = #tpu.core_type<sc_vector_subcore>, window_params = [{transform_indices = #map}, {transform_indices = #map1}, {transform_indices = #map1}, {transform_indices = #map2}]} {
    %mul3A = arith.constant 2 : i32
    %mul3A_0 = arith.muli %arg1, %mul3A : i32
    %add3A = arith.addi %mul3A_0, %arg0 : i32
    %mul3A_1 = arith.constant 10000 : i32
    %mul3A_2 = arith.muli %add3A, %mul3A_1 : i32
    %multiple_of3A = tpu.assume_multiple %mul3A_2, 8 : i32
    %eq3A = arith.constant 0 : i32
    %eq3A_3 = arith.cmpi eq, %arg1, %eq3A : i32
    %convert_element_type3A = arith.extui %eq3A_3 : i1 to i32
    %cond3A = arith.constant 0 : i32
    %cond3A_4 = arith.cmpi ne, %convert_element_type3A, %cond3A : i32
    scf.if %cond3A_4 {
      "tpu.region"() ({
        %run_scoped3A = tpu.sem_alloc : memref<!tpu.dma_semaphore, #tpu.memory_space<semaphore_mem>>
        tpu.enqueue_dma source(%arg4 : memref<10000x128xf32, #tpu.memory_space<hbm>>) target(%arg12 : memref<10000x128xf32, #tpu.memory_space<vmem_shared>>) target_semaphore(%run_scoped3A : memref<!tpu.dma_semaphore, #tpu.memory_space<semaphore_mem>>)
        tpu.wait_dma2 semaphore(%run_scoped3A : memref<!tpu.dma_semaphore, #tpu.memory_space<semaphore_mem>>) src(%arg4 : memref<10000x128xf32, #tpu.memory_space<hbm>>) dst(%arg12 : memref<10000x128xf32, #tpu.memory_space<vmem_shared>>)
        tpu.yield
      }) : () -> ()
    } else {
    }
    %barrier3A = arith.constant 0 : index
    tpu.barrier barrier_id(%barrier3A)
    %add3A_5 = arith.constant 0 : i32
    %add3A_6 = arith.addi %multiple_of3A, %add3A_5 : i32
    %multiple_of3A_7 = tpu.assume_multiple %add3A_6, 8 : i32
    %dma_start3A = tpu.memref_slice %arg2[%multiple_of3A_7] : memref<320000xi32, #tpu.memory_space<hbm>> -> memref<128xi32, #tpu.memory_space<hbm>>
    %dma_start3A_8 = tpu.memref_slice %arg2[%multiple_of3A_7] : memref<320000xi32, #tpu.memory_space<hbm>> -> memref<128xi32, #tpu.memory_space<hbm>>
    tpu.enqueue_dma source(%dma_start3A_8 : memref<128xi32, #tpu.memory_space<hbm>>) target(%arg6 : memref<128xi32, #tpu.memory_space<vmem>>) target_semaphore(%arg13 : memref<!tpu.dma_semaphore, #tpu.memory_space<semaphore_mem>>)
    %dma_start3A_9 = arith.constant 0 : i32
    %dma_start3A_10 = tpu.memref_slice %arg3[%multiple_of3A_7, %dma_start3A_9] : memref<320000x128xf32, #tpu.memory_space<hbm>> -> memref<128x128xf32, #tpu.memory_space<hbm>>
    %dma_start3A_11 = arith.constant 0 : i32
    %dma_start3A_12 = tpu.memref_slice %arg3[%multiple_of3A_7, %dma_start3A_11] : memref<320000x128xf32, #tpu.memory_space<hbm>> -> memref<128x128xf32, #tpu.memory_space<hbm>>
    tpu.enqueue_dma source(%dma_start3A_12 : memref<128x128xf32, #tpu.memory_space<hbm>>) target(%arg7 : memref<128x128xf32, #tpu.memory_space<vmem>>) target_semaphore(%arg14 : memref<!tpu.dma_semaphore, #tpu.memory_space<semaphore_mem>>)
    %scan3A = arith.constant 0 : i32
    %scan3A_13 = arith.constant 0 : i32
    %scan3A_14 = arith.constant 39 : i32
    %scan3A_15 = arith.addi %scan3A_13, %scan3A_14 : i32
    %scan3A_16 = arith.constant 1 : i32
    scf.for %scan3A_27 = %scan3A_13 to %scan3A_15 step %scan3A_16  : i32 {
      %mul3A_28 = arith.constant 2 : i32
      %mul3A_29 = arith.muli %scan3A_27, %mul3A_28 : i32
      %add3A_30 = arith.constant 1 : i32
      %add3A_31 = arith.addi %mul3A_29, %add3A_30 : i32
      %mul3A_32 = arith.constant 128 : i32
      %mul3A_33 = arith.muli %add3A_31, %mul3A_32 : i32
      %add3A_34 = arith.addi %multiple_of3A, %mul3A_33 : i32
      %multiple_of3A_35 = tpu.assume_multiple %add3A_34, 8 : i32
      %dma_start3A_36 = tpu.memref_slice %arg2[%multiple_of3A_35] : memref<320000xi32, #tpu.memory_space<hbm>> -> memref<128xi32, #tpu.memory_space<hbm>>
      %dma_start3A_37 = tpu.memref_slice %arg2[%multiple_of3A_35] : memref<320000xi32, #tpu.memory_space<hbm>> -> memref<128xi32, #tpu.memory_space<hbm>>
      tpu.enqueue_dma source(%dma_start3A_37 : memref<128xi32, #tpu.memory_space<hbm>>) target(%arg8 : memref<128xi32, #tpu.memory_space<vmem>>) target_semaphore(%arg15 : memref<!tpu.dma_semaphore, #tpu.memory_space<semaphore_mem>>)
      %dma_start3A_38 = arith.constant 0 : i32
      %dma_start3A_39 = tpu.memref_slice %arg3[%multiple_of3A_35, %dma_start3A_38] : memref<320000x128xf32, #tpu.memory_space<hbm>> -> memref<128x128xf32, #tpu.memory_space<hbm>>
      %dma_start3A_40 = arith.constant 0 : i32
      %dma_start3A_41 = tpu.memref_slice %arg3[%multiple_of3A_35, %dma_start3A_40] : memref<320000x128xf32, #tpu.memory_space<hbm>> -> memref<128x128xf32, #tpu.memory_space<hbm>>
      tpu.enqueue_dma source(%dma_start3A_41 : memref<128x128xf32, #tpu.memory_space<hbm>>) target(%arg9 : memref<128x128xf32, #tpu.memory_space<vmem>>) target_semaphore(%arg16 : memref<!tpu.dma_semaphore, #tpu.memory_space<semaphore_mem>>)
      %dma_wait3A = arith.constant 0 : i32
      %dma_wait3A_42 = tpu.memref_slice %arg2[%dma_wait3A] : memref<320000xi32, #tpu.memory_space<hbm>> -> memref<128xi32, #tpu.memory_space<hbm>>
      %dma_wait3A_43 = arith.constant 0 : i32
      %dma_wait3A_44 = tpu.memref_slice %arg2[%dma_wait3A_43] : memref<320000xi32, #tpu.memory_space<hbm>> -> memref<128xi32, #tpu.memory_space<hbm>>
      tpu.wait_dma2 semaphore(%arg13 : memref<!tpu.dma_semaphore, #tpu.memory_space<semaphore_mem>>) src(%dma_wait3A_44 : memref<128xi32, #tpu.memory_space<hbm>>) dst(%arg6 : memref<128xi32, #tpu.memory_space<vmem>>)
      %dma_wait3A_45 = arith.constant 0 : i32
      %dma_wait3A_46 = arith.constant 0 : i32
      %dma_wait3A_47 = tpu.memref_slice %arg3[%dma_wait3A_45, %dma_wait3A_46] : memref<320000x128xf32, #tpu.memory_space<hbm>> -> memref<128x128xf32, #tpu.memory_space<hbm>>
      %dma_wait3A_48 = arith.constant 0 : i32
      %dma_wait3A_49 = arith.constant 0 : i32
      %dma_wait3A_50 = tpu.memref_slice %arg3[%dma_wait3A_48, %dma_wait3A_49] : memref<320000x128xf32, #tpu.memory_space<hbm>> -> memref<128x128xf32, #tpu.memory_space<hbm>>
      tpu.wait_dma2 semaphore(%arg14 : memref<!tpu.dma_semaphore, #tpu.memory_space<semaphore_mem>>) src(%dma_wait3A_50 : memref<128x128xf32, #tpu.memory_space<hbm>>) dst(%arg7 : memref<128x128xf32, #tpu.memory_space<vmem>>)
      "tpu.region"() ({
        %run_scoped3A = tpu.sem_alloc : memref<!tpu.dma_semaphore, #tpu.memory_space<semaphore_mem>>
        %dma_start3A_67 = arith.constant 0 : i32
        %dma_start3A_68 = arith.constant 0 : i32
        %dma_start3A_69 = tpu.memref_slice %arg12[%dma_start3A_67, %dma_start3A_68] : memref<10000x128xf32, #tpu.memory_space<vmem_shared>> -> memref<10000x128xf32, #tpu.memory_space<vmem_shared>>
        tpu.enqueue_indirect_dma source(%arg7 : memref<128x128xf32, #tpu.memory_space<vmem>>) target(%dma_start3A_69 : memref<10000x128xf32, #tpu.memory_space<vmem_shared>>) offsets(%arg6 : memref<128xi32, #tpu.memory_space<vmem>>) semaphore(%run_scoped3A : memref<!tpu.dma_semaphore, #tpu.memory_space<semaphore_mem>>) {add = true}
        %dma_wait3A_70 = arith.constant 0 : i32
        %dma_wait3A_71 = arith.constant 0 : i32
        %dma_wait3A_72 = tpu.memref_slice %arg12[%dma_wait3A_70, %dma_wait3A_71] : memref<10000x128xf32, #tpu.memory_space<vmem_shared>> -> memref<10000x128xf32, #tpu.memory_space<vmem_shared>>
        tpu.wait_indirect_dma semaphore(%run_scoped3A : memref<!tpu.dma_semaphore, #tpu.memory_space<semaphore_mem>>) src(%arg7 : memref<128x128xf32, #tpu.memory_space<vmem>>) dst(%dma_wait3A_72 : memref<10000x128xf32, #tpu.memory_space<vmem_shared>>)
        tpu.yield
      }) : () -> ()
      %add3A_51 = arith.constant 2 : i32
      %add3A_52 = arith.addi %mul3A_29, %add3A_51 : i32
      %lt3A = arith.constant 78 : i32
      %lt3A_53 = arith.cmpi slt, %add3A_52, %lt3A : i32
      %convert_element_type3A_54 = arith.extui %lt3A_53 : i1 to i32
      %cond3A_55 = arith.constant 0 : i32
      %cond3A_56 = arith.cmpi ne, %convert_element_type3A_54, %cond3A_55 : i32
      scf.if %cond3A_56 {
        %add3A_67 = arith.constant 2 : i32
        %add3A_68 = arith.addi %mul3A_29, %add3A_67 : i32
        %mul3A_69 = arith.constant 128 : i32
        %mul3A_70 = arith.muli %add3A_68, %mul3A_69 : i32
        %add3A_71 = arith.addi %multiple_of3A, %mul3A_70 : i32
        %multiple_of3A_72 = tpu.assume_multiple %add3A_71, 8 : i32
        %dma_start3A_73 = tpu.memref_slice %arg2[%multiple_of3A_72] : memref<320000xi32, #tpu.memory_space<hbm>> -> memref<128xi32, #tpu.memory_space<hbm>>
        %dma_start3A_74 = tpu.memref_slice %arg2[%multiple_of3A_72] : memref<320000xi32, #tpu.memory_space<hbm>> -> memref<128xi32, #tpu.memory_space<hbm>>
        tpu.enqueue_dma source(%dma_start3A_74 : memref<128xi32, #tpu.memory_space<hbm>>) target(%arg6 : memref<128xi32, #tpu.memory_space<vmem>>) target_semaphore(%arg13 : memref<!tpu.dma_semaphore, #tpu.memory_space<semaphore_mem>>)
        %dma_start3A_75 = arith.constant 0 : i32
        %dma_start3A_76 = tpu.memref_slice %arg3[%multiple_of3A_72, %dma_start3A_75] : memref<320000x128xf32, #tpu.memory_space<hbm>> -> memref<128x128xf32, #tpu.memory_space<hbm>>
        %dma_start3A_77 = arith.constant 0 : i32
        %dma_start3A_78 = tpu.memref_slice %arg3[%multiple_of3A_72, %dma_start3A_77] : memref<320000x128xf32, #tpu.memory_space<hbm>> -> memref<128x128xf32, #tpu.memory_space<hbm>>
        tpu.enqueue_dma source(%dma_start3A_78 : memref<128x128xf32, #tpu.memory_space<hbm>>) target(%arg7 : memref<128x128xf32, #tpu.memory_space<vmem>>) target_semaphore(%arg14 : memref<!tpu.dma_semaphore, #tpu.memory_space<semaphore_mem>>)
      } else {
      }
      %dma_wait3A_57 = arith.constant 0 : i32
      %dma_wait3A_58 = tpu.memref_slice %arg2[%dma_wait3A_57] : memref<320000xi32, #tpu.memory_space<hbm>> -> memref<128xi32, #tpu.memory_space<hbm>>
      %dma_wait3A_59 = arith.constant 0 : i32
      %dma_wait3A_60 = tpu.memref_slice %arg2[%dma_wait3A_59] : memref<320000xi32, #tpu.memory_space<hbm>> -> memref<128xi32, #tpu.memory_space<hbm>>
      tpu.wait_dma2 semaphore(%arg15 : memref<!tpu.dma_semaphore, #tpu.memory_space<semaphore_mem>>) src(%dma_wait3A_60 : memref<128xi32, #tpu.memory_space<hbm>>) dst(%arg8 : memref<128xi32, #tpu.memory_space<vmem>>)
      %dma_wait3A_61 = arith.constant 0 : i32
      %dma_wait3A_62 = arith.constant 0 : i32
      %dma_wait3A_63 = tpu.memref_slice %arg3[%dma_wait3A_61, %dma_wait3A_62] : memref<320000x128xf32, #tpu.memory_space<hbm>> -> memref<128x128xf32, #tpu.memory_space<hbm>>
      %dma_wait3A_64 = arith.constant 0 : i32
      %dma_wait3A_65 = arith.constant 0 : i32
      %dma_wait3A_66 = tpu.memref_slice %arg3[%dma_wait3A_64, %dma_wait3A_65] : memref<320000x128xf32, #tpu.memory_space<hbm>> -> memref<128x128xf32, #tpu.memory_space<hbm>>
      tpu.wait_dma2 semaphore(%arg16 : memref<!tpu.dma_semaphore, #tpu.memory_space<semaphore_mem>>) src(%dma_wait3A_66 : memref<128x128xf32, #tpu.memory_space<hbm>>) dst(%arg9 : memref<128x128xf32, #tpu.memory_space<vmem>>)
      "tpu.region"() ({
        %run_scoped3A = tpu.sem_alloc : memref<!tpu.dma_semaphore, #tpu.memory_space<semaphore_mem>>
        %dma_start3A_67 = arith.constant 0 : i32
        %dma_start3A_68 = arith.constant 0 : i32
        %dma_start3A_69 = tpu.memref_slice %arg12[%dma_start3A_67, %dma_start3A_68] : memref<10000x128xf32, #tpu.memory_space<vmem_shared>> -> memref<10000x128xf32, #tpu.memory_space<vmem_shared>>
        tpu.enqueue_indirect_dma source(%arg9 : memref<128x128xf32, #tpu.memory_space<vmem>>) target(%dma_start3A_69 : memref<10000x128xf32, #tpu.memory_space<vmem_shared>>) offsets(%arg8 : memref<128xi32, #tpu.memory_space<vmem>>) semaphore(%run_scoped3A : memref<!tpu.dma_semaphore, #tpu.memory_space<semaphore_mem>>) {add = true}
        %dma_wait3A_70 = arith.constant 0 : i32
        %dma_wait3A_71 = arith.constant 0 : i32
        %dma_wait3A_72 = tpu.memref_slice %arg12[%dma_wait3A_70, %dma_wait3A_71] : memref<10000x128xf32, #tpu.memory_space<vmem_shared>> -> memref<10000x128xf32, #tpu.memory_space<vmem_shared>>
        tpu.wait_indirect_dma semaphore(%run_scoped3A : memref<!tpu.dma_semaphore, #tpu.memory_space<semaphore_mem>>) src(%arg9 : memref<128x128xf32, #tpu.memory_space<vmem>>) dst(%dma_wait3A_72 : memref<10000x128xf32, #tpu.memory_space<vmem_shared>>)
        tpu.yield
      }) : () -> ()
    }
    %scan3A_17 = arith.constant 39 : i32
    %add3A_18 = arith.constant 9984 : i32
    %add3A_19 = arith.addi %multiple_of3A, %add3A_18 : i32
    %multiple_of3A_20 = tpu.assume_multiple %add3A_19, 8 : i32
    "tpu.region"() ({
      %run_scoped3A = tpu.sem_alloc : memref<!tpu.dma_semaphore, #tpu.memory_space<semaphore_mem>>
      %dma_start3A_27 = tpu.memref_slice %arg2[%multiple_of3A_20] : memref<320000xi32, #tpu.memory_space<hbm>> -> memref<16xi32, #tpu.memory_space<hbm>>
      %dma_start3A_28 = tpu.memref_slice %arg2[%multiple_of3A_20] : memref<320000xi32, #tpu.memory_space<hbm>> -> memref<16xi32, #tpu.memory_space<hbm>>
      tpu.enqueue_dma source(%dma_start3A_28 : memref<16xi32, #tpu.memory_space<hbm>>) target(%arg10 : memref<16xi32, #tpu.memory_space<vmem>>) target_semaphore(%run_scoped3A : memref<!tpu.dma_semaphore, #tpu.memory_space<semaphore_mem>>)
      %dma_wait3A = tpu.memref_slice %arg2[%multiple_of3A_20] : memref<320000xi32, #tpu.memory_space<hbm>> -> memref<16xi32, #tpu.memory_space<hbm>>
      %dma_wait3A_29 = tpu.memref_slice %arg2[%multiple_of3A_20] : memref<320000xi32, #tpu.memory_space<hbm>> -> memref<16xi32, #tpu.memory_space<hbm>>
      tpu.wait_dma2 semaphore(%run_scoped3A : memref<!tpu.dma_semaphore, #tpu.memory_space<semaphore_mem>>) src(%dma_wait3A_29 : memref<16xi32, #tpu.memory_space<hbm>>) dst(%arg10 : memref<16xi32, #tpu.memory_space<vmem>>)
      tpu.yield
    }) : () -> ()
    "tpu.region"() ({
      %run_scoped3A = tpu.sem_alloc : memref<!tpu.dma_semaphore, #tpu.memory_space<semaphore_mem>>
      %dma_start3A_27 = arith.constant 0 : i32
      %dma_start3A_28 = tpu.memref_slice %arg3[%multiple_of3A_20, %dma_start3A_27] : memref<320000x128xf32, #tpu.memory_space<hbm>> -> memref<16x128xf32, #tpu.memory_space<hbm>>
      %dma_start3A_29 = arith.constant 0 : i32
      %dma_start3A_30 = tpu.memref_slice %arg3[%multiple_of3A_20, %dma_start3A_29] : memref<320000x128xf32, #tpu.memory_space<hbm>> -> memref<16x128xf32, #tpu.memory_space<hbm>>
      tpu.enqueue_dma source(%dma_start3A_30 : memref<16x128xf32, #tpu.memory_space<hbm>>) target(%arg11 : memref<16x128xf32, #tpu.memory_space<vmem>>) target_semaphore(%run_scoped3A : memref<!tpu.dma_semaphore, #tpu.memory_space<semaphore_mem>>)
      %dma_wait3A = arith.constant 0 : i32
      %dma_wait3A_31 = tpu.memref_slice %arg3[%multiple_of3A_20, %dma_wait3A] : memref<320000x128xf32, #tpu.memory_space<hbm>> -> memref<16x128xf32, #tpu.memory_space<hbm>>
      %dma_wait3A_32 = arith.constant 0 : i32
      %dma_wait3A_33 = tpu.memref_slice %arg3[%multiple_of3A_20, %dma_wait3A_32] : memref<320000x128xf32, #tpu.memory_space<hbm>> -> memref<16x128xf32, #tpu.memory_space<hbm>>
      tpu.wait_dma2 semaphore(%run_scoped3A : memref<!tpu.dma_semaphore, #tpu.memory_space<semaphore_mem>>) src(%dma_wait3A_33 : memref<16x128xf32, #tpu.memory_space<hbm>>) dst(%arg11 : memref<16x128xf32, #tpu.memory_space<vmem>>)
      tpu.yield
    }) : () -> ()
    "tpu.region"() ({
      %run_scoped3A = tpu.sem_alloc : memref<!tpu.dma_semaphore, #tpu.memory_space<semaphore_mem>>
      %dma_start3A_27 = arith.constant 0 : i32
      %dma_start3A_28 = arith.constant 0 : i32
      %dma_start3A_29 = tpu.memref_slice %arg12[%dma_start3A_27, %dma_start3A_28] : memref<10000x128xf32, #tpu.memory_space<vmem_shared>> -> memref<10000x128xf32, #tpu.memory_space<vmem_shared>>
      tpu.enqueue_indirect_dma source(%arg11 : memref<16x128xf32, #tpu.memory_space<vmem>>) target(%dma_start3A_29 : memref<10000x128xf32, #tpu.memory_space<vmem_shared>>) offsets(%arg10 : memref<16xi32, #tpu.memory_space<vmem>>) semaphore(%run_scoped3A : memref<!tpu.dma_semaphore, #tpu.memory_space<semaphore_mem>>) {add = true}
      %dma_wait3A = arith.constant 0 : i32
      %dma_wait3A_30 = arith.constant 0 : i32
      %dma_wait3A_31 = tpu.memref_slice %arg12[%dma_wait3A, %dma_wait3A_30] : memref<10000x128xf32, #tpu.memory_space<vmem_shared>> -> memref<10000x128xf32, #tpu.memory_space<vmem_shared>>
      tpu.wait_indirect_dma semaphore(%run_scoped3A : memref<!tpu.dma_semaphore, #tpu.memory_space<semaphore_mem>>) src(%arg11 : memref<16x128xf32, #tpu.memory_space<vmem>>) dst(%dma_wait3A_31 : memref<10000x128xf32, #tpu.memory_space<vmem_shared>>)
      tpu.yield
    }) : () -> ()
    %barrier3A_21 = arith.constant 0 : index
    tpu.barrier barrier_id(%barrier3A_21)
    %eq3A_22 = arith.constant 0 : i32
    %eq3A_23 = arith.cmpi eq, %arg1, %eq3A_22 : i32
    %convert_element_type3A_24 = arith.extui %eq3A_23 : i1 to i32
    %cond3A_25 = arith.constant 0 : i32
    %cond3A_26 = arith.cmpi ne, %convert_element_type3A_24, %cond3A_25 : i32
    scf.if %cond3A_26 {
      "tpu.region"() ({
        %run_scoped3A = tpu.sem_alloc : memref<!tpu.dma_semaphore, #tpu.memory_space<semaphore_mem>>
        %dma_start3A_27 = arith.constant 0 : i32
        %dma_start3A_28 = arith.constant 0 : i32
        %dma_start3A_29 = tpu.memref_slice %arg5[%arg0, %dma_start3A_27, %dma_start3A_28] : memref<2x10000x128xf32, #tpu.memory_space<hbm>> -> memref<1x10000x128xf32, #tpu.memory_space<hbm>>
        %dma_start3A_30 = tpu.memref_squeeze %dma_start3A_29 : memref<1x10000x128xf32, #tpu.memory_space<hbm>> -> memref<10000x128xf32, #tpu.memory_space<hbm>>
        tpu.enqueue_dma source(%arg12 : memref<10000x128xf32, #tpu.memory_space<vmem_shared>>) target(%dma_start3A_30 : memref<10000x128xf32, #tpu.memory_space<hbm>>) target_semaphore(%run_scoped3A : memref<!tpu.dma_semaphore, #tpu.memory_space<semaphore_mem>>)
        %dma_wait3A = arith.constant 0 : i32
        %dma_wait3A_31 = arith.constant 0 : i32
        %dma_wait3A_32 = tpu.memref_slice %arg5[%arg0, %dma_wait3A, %dma_wait3A_31] : memref<2x10000x128xf32, #tpu.memory_space<hbm>> -> memref<1x10000x128xf32, #tpu.memory_space<hbm>>
        %dma_wait3A_33 = tpu.memref_squeeze %dma_wait3A_32 : memref<1x10000x128xf32, #tpu.memory_space<hbm>> -> memref<10000x128xf32, #tpu.memory_space<hbm>>
        tpu.wait_dma2 semaphore(%run_scoped3A : memref<!tpu.dma_semaphore, #tpu.memory_space<semaphore_mem>>) src(%arg12 : memref<10000x128xf32, #tpu.memory_space<vmem_shared>>) dst(%dma_wait3A_33 : memref<10000x128xf32, #tpu.memory_space<hbm>>)
        tpu.yield
      }) : () -> ()
    } else {
    }
    return
  }
}

#map = affine_map<(d0, d1) -> (0, 0)>
#map1 = affine_map<(d0, d1) -> (0)>
module attributes {stable_mosaic.version = 14 : i64} {
  func.func @k(%arg0: i32, %arg1: i32, %arg2: memref<10000x128xf32, #tpu.memory_space<hbm>>, %arg3: memref<320000xi32, #tpu.memory_space<hbm>>, %arg4: memref<320000xi32, #tpu.memory_space<hbm>>, %arg5: memref<320000x128xf32, #tpu.memory_space<hbm>>, %arg6: memref<320000x128xf32, #tpu.memory_space<hbm>>, %arg7: memref<10000xi32, #tpu.memory_space<vmem>>, %arg8: memref<10000xi32, #tpu.memory_space<vmem>>, %arg9: memref<128x128xf32, #tpu.memory_space<vmem>>, %arg10: memref<128x128xf32, #tpu.memory_space<vmem>>, %arg11: memref<128x128xf32, #tpu.memory_space<vmem>>, %arg12: memref<128x128xf32, #tpu.memory_space<vmem>>, %arg13: memref<!tpu.dma_semaphore, #tpu.memory_space<semaphore_mem>>, %arg14: memref<!tpu.dma_semaphore, #tpu.memory_space<semaphore_mem>>, %arg15: memref<!tpu.dma_semaphore, #tpu.memory_space<semaphore_mem>>, %arg16: memref<!tpu.dma_semaphore, #tpu.memory_space<semaphore_mem>>) attributes {dimension_semantics = [#tpu.dimension_semantics<core_parallel>, #tpu.dimension_semantics<subcore_parallel>], iteration_bounds = array<i64: 2, 16>, scalar_prefetch = 0 : i64, scratch_operands = 10 : i64, tpu.core_type = #tpu.core_type<sc_vector_subcore>, window_params = [{transform_indices = #map}, {transform_indices = #map1}, {transform_indices = #map1}, {transform_indices = #map}, {transform_indices = #map}]} {
    %mul3A = arith.constant 2 : i32
    %mul3A_0 = arith.muli %arg1, %mul3A : i32
    %add3A = arith.addi %mul3A_0, %arg0 : i32
    %mul3A_1 = arith.constant 10000 : i32
    %mul3A_2 = arith.muli %add3A, %mul3A_1 : i32
    %multiple_of3A = tpu.assume_multiple %mul3A_2, 8 : i32
    "tpu.region"() ({
      %run_scoped3A = tpu.sem_alloc : memref<!tpu.dma_semaphore, #tpu.memory_space<semaphore_mem>>
      %dma_start3A_48 = tpu.memref_slice %arg3[%multiple_of3A] : memref<320000xi32, #tpu.memory_space<hbm>> -> memref<10000xi32, #tpu.memory_space<hbm>>
      %dma_start3A_49 = tpu.memref_slice %arg3[%multiple_of3A] : memref<320000xi32, #tpu.memory_space<hbm>> -> memref<10000xi32, #tpu.memory_space<hbm>>
      tpu.enqueue_dma source(%dma_start3A_49 : memref<10000xi32, #tpu.memory_space<hbm>>) target(%arg7 : memref<10000xi32, #tpu.memory_space<vmem>>) target_semaphore(%run_scoped3A : memref<!tpu.dma_semaphore, #tpu.memory_space<semaphore_mem>>)
      %dma_wait3A_50 = tpu.memref_slice %arg3[%multiple_of3A] : memref<320000xi32, #tpu.memory_space<hbm>> -> memref<10000xi32, #tpu.memory_space<hbm>>
      %dma_wait3A_51 = tpu.memref_slice %arg3[%multiple_of3A] : memref<320000xi32, #tpu.memory_space<hbm>> -> memref<10000xi32, #tpu.memory_space<hbm>>
      tpu.wait_dma2 semaphore(%run_scoped3A : memref<!tpu.dma_semaphore, #tpu.memory_space<semaphore_mem>>) src(%dma_wait3A_51 : memref<10000xi32, #tpu.memory_space<hbm>>) dst(%arg7 : memref<10000xi32, #tpu.memory_space<vmem>>)
      tpu.yield
    }) : () -> ()
    "tpu.region"() ({
      %run_scoped3A = tpu.sem_alloc : memref<!tpu.dma_semaphore, #tpu.memory_space<semaphore_mem>>
      %dma_start3A_48 = tpu.memref_slice %arg4[%multiple_of3A] : memref<320000xi32, #tpu.memory_space<hbm>> -> memref<10000xi32, #tpu.memory_space<hbm>>
      %dma_start3A_49 = tpu.memref_slice %arg4[%multiple_of3A] : memref<320000xi32, #tpu.memory_space<hbm>> -> memref<10000xi32, #tpu.memory_space<hbm>>
      tpu.enqueue_dma source(%dma_start3A_49 : memref<10000xi32, #tpu.memory_space<hbm>>) target(%arg8 : memref<10000xi32, #tpu.memory_space<vmem>>) target_semaphore(%run_scoped3A : memref<!tpu.dma_semaphore, #tpu.memory_space<semaphore_mem>>)
      %dma_wait3A_50 = tpu.memref_slice %arg4[%multiple_of3A] : memref<320000xi32, #tpu.memory_space<hbm>> -> memref<10000xi32, #tpu.memory_space<hbm>>
      %dma_wait3A_51 = tpu.memref_slice %arg4[%multiple_of3A] : memref<320000xi32, #tpu.memory_space<hbm>> -> memref<10000xi32, #tpu.memory_space<hbm>>
      tpu.wait_dma2 semaphore(%run_scoped3A : memref<!tpu.dma_semaphore, #tpu.memory_space<semaphore_mem>>) src(%dma_wait3A_51 : memref<10000xi32, #tpu.memory_space<hbm>>) dst(%arg8 : memref<10000xi32, #tpu.memory_space<vmem>>)
      tpu.yield
    }) : () -> ()
    %multiple_of3A_3 = arith.constant 0 : i32
    %multiple_of3A_4 = tpu.assume_multiple %multiple_of3A_3, 8 : i32
    %dma_start3A = tpu.memref_slice %arg7[%multiple_of3A_4] : memref<10000xi32, #tpu.memory_space<vmem>> -> memref<128xi32, #tpu.memory_space<vmem>>
    %dma_start3A_5 = arith.constant 0 : i32
    %dma_start3A_6 = arith.constant 0 : i32
    %dma_start3A_7 = tpu.memref_slice %arg2[%dma_start3A_5, %dma_start3A_6] : memref<10000x128xf32, #tpu.memory_space<hbm>> -> memref<10000x128xf32, #tpu.memory_space<hbm>>
    tpu.enqueue_indirect_dma source(%dma_start3A_7 : memref<10000x128xf32, #tpu.memory_space<hbm>>) target(%arg9 : memref<128x128xf32, #tpu.memory_space<vmem>>) offsets(%dma_start3A : memref<128xi32, #tpu.memory_space<vmem>>) semaphore(%arg13 : memref<!tpu.dma_semaphore, #tpu.memory_space<semaphore_mem>>)
    %dma_start3A_8 = tpu.memref_slice %arg8[%multiple_of3A_4] : memref<10000xi32, #tpu.memory_space<vmem>> -> memref<128xi32, #tpu.memory_space<vmem>>
    %dma_start3A_9 = arith.constant 0 : i32
    %dma_start3A_10 = arith.constant 0 : i32
    %dma_start3A_11 = tpu.memref_slice %arg2[%dma_start3A_9, %dma_start3A_10] : memref<10000x128xf32, #tpu.memory_space<hbm>> -> memref<10000x128xf32, #tpu.memory_space<hbm>>
    tpu.enqueue_indirect_dma source(%dma_start3A_11 : memref<10000x128xf32, #tpu.memory_space<hbm>>) target(%arg10 : memref<128x128xf32, #tpu.memory_space<vmem>>) offsets(%dma_start3A_8 : memref<128xi32, #tpu.memory_space<vmem>>) semaphore(%arg14 : memref<!tpu.dma_semaphore, #tpu.memory_space<semaphore_mem>>)
    %scan3A = arith.constant 0 : i32
    %scan3A_12 = arith.constant 0 : i32
    %scan3A_13 = arith.constant 39 : i32
    %scan3A_14 = arith.addi %scan3A_12, %scan3A_13 : i32
    %scan3A_15 = arith.constant 1 : i32
    scf.for %scan3A_48 = %scan3A_12 to %scan3A_14 step %scan3A_15  : i32 {
      %mul3A_49 = arith.constant 2 : i32
      %mul3A_50 = arith.muli %scan3A_48, %mul3A_49 : i32
      %add3A_51 = arith.constant 1 : i32
      %add3A_52 = arith.addi %mul3A_50, %add3A_51 : i32
      %mul3A_53 = arith.constant 128 : i32
      %mul3A_54 = arith.muli %add3A_52, %mul3A_53 : i32
      %multiple_of3A_55 = tpu.assume_multiple %mul3A_54, 8 : i32
      %dma_start3A_56 = tpu.memref_slice %arg7[%multiple_of3A_55] : memref<10000xi32, #tpu.memory_space<vmem>> -> memref<128xi32, #tpu.memory_space<vmem>>
      %dma_start3A_57 = arith.constant 0 : i32
      %dma_start3A_58 = arith.constant 0 : i32
      %dma_start3A_59 = tpu.memref_slice %arg2[%dma_start3A_57, %dma_start3A_58] : memref<10000x128xf32, #tpu.memory_space<hbm>> -> memref<10000x128xf32, #tpu.memory_space<hbm>>
      tpu.enqueue_indirect_dma source(%dma_start3A_59 : memref<10000x128xf32, #tpu.memory_space<hbm>>) target(%arg11 : memref<128x128xf32, #tpu.memory_space<vmem>>) offsets(%dma_start3A_56 : memref<128xi32, #tpu.memory_space<vmem>>) semaphore(%arg15 : memref<!tpu.dma_semaphore, #tpu.memory_space<semaphore_mem>>)
      %dma_start3A_60 = tpu.memref_slice %arg8[%multiple_of3A_55] : memref<10000xi32, #tpu.memory_space<vmem>> -> memref<128xi32, #tpu.memory_space<vmem>>
      %dma_start3A_61 = arith.constant 0 : i32
      %dma_start3A_62 = arith.constant 0 : i32
      %dma_start3A_63 = tpu.memref_slice %arg2[%dma_start3A_61, %dma_start3A_62] : memref<10000x128xf32, #tpu.memory_space<hbm>> -> memref<10000x128xf32, #tpu.memory_space<hbm>>
      tpu.enqueue_indirect_dma source(%dma_start3A_63 : memref<10000x128xf32, #tpu.memory_space<hbm>>) target(%arg12 : memref<128x128xf32, #tpu.memory_space<vmem>>) offsets(%dma_start3A_60 : memref<128xi32, #tpu.memory_space<vmem>>) semaphore(%arg16 : memref<!tpu.dma_semaphore, #tpu.memory_space<semaphore_mem>>)
      %mul3A_64 = arith.constant 128 : i32
      %mul3A_65 = arith.muli %mul3A_50, %mul3A_64 : i32
      %multiple_of3A_66 = tpu.assume_multiple %mul3A_65, 8 : i32
      %dma_wait3A_67 = arith.constant 0 : i32
      %dma_wait3A_68 = arith.constant 0 : i32
      %dma_wait3A_69 = tpu.memref_slice %arg2[%dma_wait3A_67, %dma_wait3A_68] : memref<10000x128xf32, #tpu.memory_space<hbm>> -> memref<128x128xf32, #tpu.memory_space<hbm>>
      %dma_wait3A_70 = arith.constant 0 : i32
      %dma_wait3A_71 = arith.constant 0 : i32
      %dma_wait3A_72 = tpu.memref_slice %arg2[%dma_wait3A_70, %dma_wait3A_71] : memref<10000x128xf32, #tpu.memory_space<hbm>> -> memref<128x128xf32, #tpu.memory_space<hbm>>
      tpu.wait_dma2 semaphore(%arg13 : memref<!tpu.dma_semaphore, #tpu.memory_space<semaphore_mem>>) src(%dma_wait3A_72 : memref<128x128xf32, #tpu.memory_space<hbm>>) dst(%arg9 : memref<128x128xf32, #tpu.memory_space<vmem>>)
      %add3A_73 = arith.addi %multiple_of3A, %multiple_of3A_66 : i32
      "tpu.region"() ({
        %run_scoped3A = tpu.sem_alloc : memref<!tpu.dma_semaphore, #tpu.memory_space<semaphore_mem>>
        %dma_start3A_104 = arith.constant 0 : i32
        %dma_start3A_105 = tpu.memref_slice %arg5[%add3A_73, %dma_start3A_104] : memref<320000x128xf32, #tpu.memory_space<hbm>> -> memref<128x128xf32, #tpu.memory_space<hbm>>
        %dma_start3A_106 = arith.constant 0 : i32
        %dma_start3A_107 = tpu.memref_slice %arg5[%add3A_73, %dma_start3A_106] : memref<320000x128xf32, #tpu.memory_space<hbm>> -> memref<128x128xf32, #tpu.memory_space<hbm>>
        tpu.enqueue_dma source(%arg9 : memref<128x128xf32, #tpu.memory_space<vmem>>) target(%dma_start3A_107 : memref<128x128xf32, #tpu.memory_space<hbm>>) target_semaphore(%run_scoped3A : memref<!tpu.dma_semaphore, #tpu.memory_space<semaphore_mem>>)
        %dma_wait3A_108 = arith.constant 0 : i32
        %dma_wait3A_109 = tpu.memref_slice %arg5[%add3A_73, %dma_wait3A_108] : memref<320000x128xf32, #tpu.memory_space<hbm>> -> memref<128x128xf32, #tpu.memory_space<hbm>>
        %dma_wait3A_110 = arith.constant 0 : i32
        %dma_wait3A_111 = tpu.memref_slice %arg5[%add3A_73, %dma_wait3A_110] : memref<320000x128xf32, #tpu.memory_space<hbm>> -> memref<128x128xf32, #tpu.memory_space<hbm>>
        tpu.wait_dma2 semaphore(%run_scoped3A : memref<!tpu.dma_semaphore, #tpu.memory_space<semaphore_mem>>) src(%arg9 : memref<128x128xf32, #tpu.memory_space<vmem>>) dst(%dma_wait3A_111 : memref<128x128xf32, #tpu.memory_space<hbm>>)
        tpu.yield
      }) : () -> ()
      %dma_wait3A_74 = arith.constant 0 : i32
      %dma_wait3A_75 = arith.constant 0 : i32
      %dma_wait3A_76 = tpu.memref_slice %arg2[%dma_wait3A_74, %dma_wait3A_75] : memref<10000x128xf32, #tpu.memory_space<hbm>> -> memref<128x128xf32, #tpu.memory_space<hbm>>
      %dma_wait3A_77 = arith.constant 0 : i32
      %dma_wait3A_78 = arith.constant 0 : i32
      %dma_wait3A_79 = tpu.memref_slice %arg2[%dma_wait3A_77, %dma_wait3A_78] : memref<10000x128xf32, #tpu.memory_space<hbm>> -> memref<128x128xf32, #tpu.memory_space<hbm>>
      tpu.wait_dma2 semaphore(%arg14 : memref<!tpu.dma_semaphore, #tpu.memory_space<semaphore_mem>>) src(%dma_wait3A_79 : memref<128x128xf32, #tpu.memory_space<hbm>>) dst(%arg10 : memref<128x128xf32, #tpu.memory_space<vmem>>)
      %add3A_80 = arith.addi %multiple_of3A, %multiple_of3A_66 : i32
      "tpu.region"() ({
        %run_scoped3A = tpu.sem_alloc : memref<!tpu.dma_semaphore, #tpu.memory_space<semaphore_mem>>
        %dma_start3A_104 = arith.constant 0 : i32
        %dma_start3A_105 = tpu.memref_slice %arg6[%add3A_80, %dma_start3A_104] : memref<320000x128xf32, #tpu.memory_space<hbm>> -> memref<128x128xf32, #tpu.memory_space<hbm>>
        %dma_start3A_106 = arith.constant 0 : i32
        %dma_start3A_107 = tpu.memref_slice %arg6[%add3A_80, %dma_start3A_106] : memref<320000x128xf32, #tpu.memory_space<hbm>> -> memref<128x128xf32, #tpu.memory_space<hbm>>
        tpu.enqueue_dma source(%arg10 : memref<128x128xf32, #tpu.memory_space<vmem>>) target(%dma_start3A_107 : memref<128x128xf32, #tpu.memory_space<hbm>>) target_semaphore(%run_scoped3A : memref<!tpu.dma_semaphore, #tpu.memory_space<semaphore_mem>>)
        %dma_wait3A_108 = arith.constant 0 : i32
        %dma_wait3A_109 = tpu.memref_slice %arg6[%add3A_80, %dma_wait3A_108] : memref<320000x128xf32, #tpu.memory_space<hbm>> -> memref<128x128xf32, #tpu.memory_space<hbm>>
        %dma_wait3A_110 = arith.constant 0 : i32
        %dma_wait3A_111 = tpu.memref_slice %arg6[%add3A_80, %dma_wait3A_110] : memref<320000x128xf32, #tpu.memory_space<hbm>> -> memref<128x128xf32, #tpu.memory_space<hbm>>
        tpu.wait_dma2 semaphore(%run_scoped3A : memref<!tpu.dma_semaphore, #tpu.memory_space<semaphore_mem>>) src(%arg10 : memref<128x128xf32, #tpu.memory_space<vmem>>) dst(%dma_wait3A_111 : memref<128x128xf32, #tpu.memory_space<hbm>>)
        tpu.yield
      }) : () -> ()
      %add3A_81 = arith.constant 2 : i32
      %add3A_82 = arith.addi %mul3A_50, %add3A_81 : i32
      %lt3A = arith.constant 78 : i32
      %lt3A_83 = arith.cmpi slt, %add3A_82, %lt3A : i32
      %convert_element_type3A = arith.extui %lt3A_83 : i1 to i32
      %cond3A = arith.constant 0 : i32
      %cond3A_84 = arith.cmpi ne, %convert_element_type3A, %cond3A : i32
      scf.if %cond3A_84 {
        %add3A_104 = arith.constant 2 : i32
        %add3A_105 = arith.addi %mul3A_50, %add3A_104 : i32
        %mul3A_106 = arith.constant 128 : i32
        %mul3A_107 = arith.muli %add3A_105, %mul3A_106 : i32
        %multiple_of3A_108 = tpu.assume_multiple %mul3A_107, 8 : i32
        %dma_start3A_109 = tpu.memref_slice %arg7[%multiple_of3A_108] : memref<10000xi32, #tpu.memory_space<vmem>> -> memref<128xi32, #tpu.memory_space<vmem>>
        %dma_start3A_110 = arith.constant 0 : i32
        %dma_start3A_111 = arith.constant 0 : i32
        %dma_start3A_112 = tpu.memref_slice %arg2[%dma_start3A_110, %dma_start3A_111] : memref<10000x128xf32, #tpu.memory_space<hbm>> -> memref<10000x128xf32, #tpu.memory_space<hbm>>
        tpu.enqueue_indirect_dma source(%dma_start3A_112 : memref<10000x128xf32, #tpu.memory_space<hbm>>) target(%arg9 : memref<128x128xf32, #tpu.memory_space<vmem>>) offsets(%dma_start3A_109 : memref<128xi32, #tpu.memory_space<vmem>>) semaphore(%arg13 : memref<!tpu.dma_semaphore, #tpu.memory_space<semaphore_mem>>)
        %dma_start3A_113 = tpu.memref_slice %arg8[%multiple_of3A_108] : memref<10000xi32, #tpu.memory_space<vmem>> -> memref<128xi32, #tpu.memory_space<vmem>>
        %dma_start3A_114 = arith.constant 0 : i32
        %dma_start3A_115 = arith.constant 0 : i32
        %dma_start3A_116 = tpu.memref_slice %arg2[%dma_start3A_114, %dma_start3A_115] : memref<10000x128xf32, #tpu.memory_space<hbm>> -> memref<10000x128xf32, #tpu.memory_space<hbm>>
        tpu.enqueue_indirect_dma source(%dma_start3A_116 : memref<10000x128xf32, #tpu.memory_space<hbm>>) target(%arg10 : memref<128x128xf32, #tpu.memory_space<vmem>>) offsets(%dma_start3A_113 : memref<128xi32, #tpu.memory_space<vmem>>) semaphore(%arg14 : memref<!tpu.dma_semaphore, #tpu.memory_space<semaphore_mem>>)
      } else {
      }
      %add3A_85 = arith.constant 1 : i32
      %add3A_86 = arith.addi %mul3A_50, %add3A_85 : i32
      %mul3A_87 = arith.constant 128 : i32
      %mul3A_88 = arith.muli %add3A_86, %mul3A_87 : i32
      %multiple_of3A_89 = tpu.assume_multiple %mul3A_88, 8 : i32
      %dma_wait3A_90 = arith.constant 0 : i32
      %dma_wait3A_91 = arith.constant 0 : i32
      %dma_wait3A_92 = tpu.memref_slice %arg2[%dma_wait3A_90, %dma_wait3A_91] : memref<10000x128xf32, #tpu.memory_space<hbm>> -> memref<128x128xf32, #tpu.memory_space<hbm>>
      %dma_wait3A_93 = arith.constant 0 : i32
      %dma_wait3A_94 = arith.constant 0 : i32
      %dma_wait3A_95 = tpu.memref_slice %arg2[%dma_wait3A_93, %dma_wait3A_94] : memref<10000x128xf32, #tpu.memory_space<hbm>> -> memref<128x128xf32, #tpu.memory_space<hbm>>
      tpu.wait_dma2 semaphore(%arg15 : memref<!tpu.dma_semaphore, #tpu.memory_space<semaphore_mem>>) src(%dma_wait3A_95 : memref<128x128xf32, #tpu.memory_space<hbm>>) dst(%arg11 : memref<128x128xf32, #tpu.memory_space<vmem>>)
      %add3A_96 = arith.addi %multiple_of3A, %multiple_of3A_89 : i32
      "tpu.region"() ({
        %run_scoped3A = tpu.sem_alloc : memref<!tpu.dma_semaphore, #tpu.memory_space<semaphore_mem>>
        %dma_start3A_104 = arith.constant 0 : i32
        %dma_start3A_105 = tpu.memref_slice %arg5[%add3A_96, %dma_start3A_104] : memref<320000x128xf32, #tpu.memory_space<hbm>> -> memref<128x128xf32, #tpu.memory_space<hbm>>
        %dma_start3A_106 = arith.constant 0 : i32
        %dma_start3A_107 = tpu.memref_slice %arg5[%add3A_96, %dma_start3A_106] : memref<320000x128xf32, #tpu.memory_space<hbm>> -> memref<128x128xf32, #tpu.memory_space<hbm>>
        tpu.enqueue_dma source(%arg11 : memref<128x128xf32, #tpu.memory_space<vmem>>) target(%dma_start3A_107 : memref<128x128xf32, #tpu.memory_space<hbm>>) target_semaphore(%run_scoped3A : memref<!tpu.dma_semaphore, #tpu.memory_space<semaphore_mem>>)
        %dma_wait3A_108 = arith.constant 0 : i32
        %dma_wait3A_109 = tpu.memref_slice %arg5[%add3A_96, %dma_wait3A_108] : memref<320000x128xf32, #tpu.memory_space<hbm>> -> memref<128x128xf32, #tpu.memory_space<hbm>>
        %dma_wait3A_110 = arith.constant 0 : i32
        %dma_wait3A_111 = tpu.memref_slice %arg5[%add3A_96, %dma_wait3A_110] : memref<320000x128xf32, #tpu.memory_space<hbm>> -> memref<128x128xf32, #tpu.memory_space<hbm>>
        tpu.wait_dma2 semaphore(%run_scoped3A : memref<!tpu.dma_semaphore, #tpu.memory_space<semaphore_mem>>) src(%arg11 : memref<128x128xf32, #tpu.memory_space<vmem>>) dst(%dma_wait3A_111 : memref<128x128xf32, #tpu.memory_space<hbm>>)
        tpu.yield
      }) : () -> ()
      %dma_wait3A_97 = arith.constant 0 : i32
      %dma_wait3A_98 = arith.constant 0 : i32
      %dma_wait3A_99 = tpu.memref_slice %arg2[%dma_wait3A_97, %dma_wait3A_98] : memref<10000x128xf32, #tpu.memory_space<hbm>> -> memref<128x128xf32, #tpu.memory_space<hbm>>
      %dma_wait3A_100 = arith.constant 0 : i32
      %dma_wait3A_101 = arith.constant 0 : i32
      %dma_wait3A_102 = tpu.memref_slice %arg2[%dma_wait3A_100, %dma_wait3A_101] : memref<10000x128xf32, #tpu.memory_space<hbm>> -> memref<128x128xf32, #tpu.memory_space<hbm>>
      tpu.wait_dma2 semaphore(%arg16 : memref<!tpu.dma_semaphore, #tpu.memory_space<semaphore_mem>>) src(%dma_wait3A_102 : memref<128x128xf32, #tpu.memory_space<hbm>>) dst(%arg12 : memref<128x128xf32, #tpu.memory_space<vmem>>)
      %add3A_103 = arith.addi %multiple_of3A, %multiple_of3A_89 : i32
      "tpu.region"() ({
        %run_scoped3A = tpu.sem_alloc : memref<!tpu.dma_semaphore, #tpu.memory_space<semaphore_mem>>
        %dma_start3A_104 = arith.constant 0 : i32
        %dma_start3A_105 = tpu.memref_slice %arg6[%add3A_103, %dma_start3A_104] : memref<320000x128xf32, #tpu.memory_space<hbm>> -> memref<128x128xf32, #tpu.memory_space<hbm>>
        %dma_start3A_106 = arith.constant 0 : i32
        %dma_start3A_107 = tpu.memref_slice %arg6[%add3A_103, %dma_start3A_106] : memref<320000x128xf32, #tpu.memory_space<hbm>> -> memref<128x128xf32, #tpu.memory_space<hbm>>
        tpu.enqueue_dma source(%arg12 : memref<128x128xf32, #tpu.memory_space<vmem>>) target(%dma_start3A_107 : memref<128x128xf32, #tpu.memory_space<hbm>>) target_semaphore(%run_scoped3A : memref<!tpu.dma_semaphore, #tpu.memory_space<semaphore_mem>>)
        %dma_wait3A_108 = arith.constant 0 : i32
        %dma_wait3A_109 = tpu.memref_slice %arg6[%add3A_103, %dma_wait3A_108] : memref<320000x128xf32, #tpu.memory_space<hbm>> -> memref<128x128xf32, #tpu.memory_space<hbm>>
        %dma_wait3A_110 = arith.constant 0 : i32
        %dma_wait3A_111 = tpu.memref_slice %arg6[%add3A_103, %dma_wait3A_110] : memref<320000x128xf32, #tpu.memory_space<hbm>> -> memref<128x128xf32, #tpu.memory_space<hbm>>
        tpu.wait_dma2 semaphore(%run_scoped3A : memref<!tpu.dma_semaphore, #tpu.memory_space<semaphore_mem>>) src(%arg12 : memref<128x128xf32, #tpu.memory_space<vmem>>) dst(%dma_wait3A_111 : memref<128x128xf32, #tpu.memory_space<hbm>>)
        tpu.yield
      }) : () -> ()
    }
    %scan3A_16 = arith.constant 39 : i32
    %multiple_of3A_17 = arith.constant 9984 : i32
    %multiple_of3A_18 = tpu.assume_multiple %multiple_of3A_17, 8 : i32
    %dma_start3A_19 = arith.constant 0 : i32
    %dma_start3A_20 = arith.constant 0 : i32
    %dma_start3A_21 = tpu.memref_slice %arg9[%dma_start3A_19, %dma_start3A_20] : memref<128x128xf32, #tpu.memory_space<vmem>> -> memref<16x128xf32, #tpu.memory_space<vmem>>
    %dma_start3A_22 = tpu.memref_slice %arg7[%multiple_of3A_18] : memref<10000xi32, #tpu.memory_space<vmem>> -> memref<16xi32, #tpu.memory_space<vmem>>
    %dma_start3A_23 = arith.constant 0 : i32
    %dma_start3A_24 = arith.constant 0 : i32
    %dma_start3A_25 = tpu.memref_slice %arg2[%dma_start3A_23, %dma_start3A_24] : memref<10000x128xf32, #tpu.memory_space<hbm>> -> memref<10000x128xf32, #tpu.memory_space<hbm>>
    tpu.enqueue_indirect_dma source(%dma_start3A_25 : memref<10000x128xf32, #tpu.memory_space<hbm>>) target(%dma_start3A_21 : memref<16x128xf32, #tpu.memory_space<vmem>>) offsets(%dma_start3A_22 : memref<16xi32, #tpu.memory_space<vmem>>) semaphore(%arg13 : memref<!tpu.dma_semaphore, #tpu.memory_space<semaphore_mem>>)
    %dma_wait3A = arith.constant 0 : i32
    %dma_wait3A_26 = arith.constant 0 : i32
    %dma_wait3A_27 = tpu.memref_slice %arg9[%dma_wait3A, %dma_wait3A_26] : memref<128x128xf32, #tpu.memory_space<vmem>> -> memref<16x128xf32, #tpu.memory_space<vmem>>
    %dma_wait3A_28 = tpu.memref_slice %arg7[%multiple_of3A_18] : memref<10000xi32, #tpu.memory_space<vmem>> -> memref<16xi32, #tpu.memory_space<vmem>>
    %dma_wait3A_29 = arith.constant 0 : i32
    %dma_wait3A_30 = arith.constant 0 : i32
    %dma_wait3A_31 = tpu.memref_slice %arg2[%dma_wait3A_29, %dma_wait3A_30] : memref<10000x128xf32, #tpu.memory_space<hbm>> -> memref<10000x128xf32, #tpu.memory_space<hbm>>
    tpu.wait_indirect_dma semaphore(%arg13 : memref<!tpu.dma_semaphore, #tpu.memory_space<semaphore_mem>>) src(%dma_wait3A_31 : memref<10000x128xf32, #tpu.memory_space<hbm>>) dst(%dma_wait3A_27 : memref<16x128xf32, #tpu.memory_space<vmem>>)
    %add3A_32 = arith.addi %multiple_of3A, %multiple_of3A_18 : i32
    "tpu.region"() ({
      %run_scoped3A = tpu.sem_alloc : memref<!tpu.dma_semaphore, #tpu.memory_space<semaphore_mem>>
      %dma_start3A_48 = arith.constant 0 : i32
      %dma_start3A_49 = arith.constant 0 : i32
      %dma_start3A_50 = tpu.memref_slice %arg9[%dma_start3A_48, %dma_start3A_49] : memref<128x128xf32, #tpu.memory_space<vmem>> -> memref<16x128xf32, #tpu.memory_space<vmem>>
      %dma_start3A_51 = arith.constant 0 : i32
      %dma_start3A_52 = tpu.memref_slice %arg5[%add3A_32, %dma_start3A_51] : memref<320000x128xf32, #tpu.memory_space<hbm>> -> memref<16x128xf32, #tpu.memory_space<hbm>>
      %dma_start3A_53 = arith.constant 0 : i32
      %dma_start3A_54 = tpu.memref_slice %arg5[%add3A_32, %dma_start3A_53] : memref<320000x128xf32, #tpu.memory_space<hbm>> -> memref<16x128xf32, #tpu.memory_space<hbm>>
      %dma_start3A_55 = arith.constant 0 : i32
      %dma_start3A_56 = arith.constant 0 : i32
      %dma_start3A_57 = tpu.memref_slice %arg9[%dma_start3A_55, %dma_start3A_56] : memref<128x128xf32, #tpu.memory_space<vmem>> -> memref<16x128xf32, #tpu.memory_space<vmem>>
      tpu.enqueue_dma source(%dma_start3A_57 : memref<16x128xf32, #tpu.memory_space<vmem>>) target(%dma_start3A_54 : memref<16x128xf32, #tpu.memory_space<hbm>>) target_semaphore(%run_scoped3A : memref<!tpu.dma_semaphore, #tpu.memory_space<semaphore_mem>>)
      %dma_wait3A_58 = arith.constant 0 : i32
      %dma_wait3A_59 = arith.constant 0 : i32
      %dma_wait3A_60 = tpu.memref_slice %arg9[%dma_wait3A_58, %dma_wait3A_59] : memref<128x128xf32, #tpu.memory_space<vmem>> -> memref<16x128xf32, #tpu.memory_space<vmem>>
      %dma_wait3A_61 = arith.constant 0 : i32
      %dma_wait3A_62 = tpu.memref_slice %arg5[%add3A_32, %dma_wait3A_61] : memref<320000x128xf32, #tpu.memory_space<hbm>> -> memref<16x128xf32, #tpu.memory_space<hbm>>
      %dma_wait3A_63 = arith.constant 0 : i32
      %dma_wait3A_64 = tpu.memref_slice %arg5[%add3A_32, %dma_wait3A_63] : memref<320000x128xf32, #tpu.memory_space<hbm>> -> memref<16x128xf32, #tpu.memory_space<hbm>>
      %dma_wait3A_65 = arith.constant 0 : i32
      %dma_wait3A_66 = arith.constant 0 : i32
      %dma_wait3A_67 = tpu.memref_slice %arg9[%dma_wait3A_65, %dma_wait3A_66] : memref<128x128xf32, #tpu.memory_space<vmem>> -> memref<16x128xf32, #tpu.memory_space<vmem>>
      tpu.wait_dma2 semaphore(%run_scoped3A : memref<!tpu.dma_semaphore, #tpu.memory_space<semaphore_mem>>) src(%dma_wait3A_67 : memref<16x128xf32, #tpu.memory_space<vmem>>) dst(%dma_wait3A_64 : memref<16x128xf32, #tpu.memory_space<hbm>>)
      tpu.yield
    }) : () -> ()
    %dma_start3A_33 = arith.constant 0 : i32
    %dma_start3A_34 = arith.constant 0 : i32
    %dma_start3A_35 = tpu.memref_slice %arg10[%dma_start3A_33, %dma_start3A_34] : memref<128x128xf32, #tpu.memory_space<vmem>> -> memref<16x128xf32, #tpu.memory_space<vmem>>
    %dma_start3A_36 = tpu.memref_slice %arg8[%multiple_of3A_18] : memref<10000xi32, #tpu.memory_space<vmem>> -> memref<16xi32, #tpu.memory_space<vmem>>
    %dma_start3A_37 = arith.constant 0 : i32
    %dma_start3A_38 = arith.constant 0 : i32
    %dma_start3A_39 = tpu.memref_slice %arg2[%dma_start3A_37, %dma_start3A_38] : memref<10000x128xf32, #tpu.memory_space<hbm>> -> memref<10000x128xf32, #tpu.memory_space<hbm>>
    tpu.enqueue_indirect_dma source(%dma_start3A_39 : memref<10000x128xf32, #tpu.memory_space<hbm>>) target(%dma_start3A_35 : memref<16x128xf32, #tpu.memory_space<vmem>>) offsets(%dma_start3A_36 : memref<16xi32, #tpu.memory_space<vmem>>) semaphore(%arg14 : memref<!tpu.dma_semaphore, #tpu.memory_space<semaphore_mem>>)
    %dma_wait3A_40 = arith.constant 0 : i32
    %dma_wait3A_41 = arith.constant 0 : i32
    %dma_wait3A_42 = tpu.memref_slice %arg10[%dma_wait3A_40, %dma_wait3A_41] : memref<128x128xf32, #tpu.memory_space<vmem>> -> memref<16x128xf32, #tpu.memory_space<vmem>>
    %dma_wait3A_43 = tpu.memref_slice %arg8[%multiple_of3A_18] : memref<10000xi32, #tpu.memory_space<vmem>> -> memref<16xi32, #tpu.memory_space<vmem>>
    %dma_wait3A_44 = arith.constant 0 : i32
    %dma_wait3A_45 = arith.constant 0 : i32
    %dma_wait3A_46 = tpu.memref_slice %arg2[%dma_wait3A_44, %dma_wait3A_45] : memref<10000x128xf32, #tpu.memory_space<hbm>> -> memref<10000x128xf32, #tpu.memory_space<hbm>>
    tpu.wait_indirect_dma semaphore(%arg14 : memref<!tpu.dma_semaphore, #tpu.memory_space<semaphore_mem>>) src(%dma_wait3A_46 : memref<10000x128xf32, #tpu.memory_space<hbm>>) dst(%dma_wait3A_42 : memref<16x128xf32, #tpu.memory_space<vmem>>)
    %add3A_47 = arith.addi %multiple_of3A, %multiple_of3A_18 : i32
    "tpu.region"() ({
      %run_scoped3A = tpu.sem_alloc : memref<!tpu.dma_semaphore, #tpu.memory_space<semaphore_mem>>
      %dma_start3A_48 = arith.constant 0 : i32
      %dma_start3A_49 = arith.constant 0 : i32
      %dma_start3A_50 = tpu.memref_slice %arg10[%dma_start3A_48, %dma_start3A_49] : memref<128x128xf32, #tpu.memory_space<vmem>> -> memref<16x128xf32, #tpu.memory_space<vmem>>
      %dma_start3A_51 = arith.constant 0 : i32
      %dma_start3A_52 = tpu.memref_slice %arg6[%add3A_47, %dma_start3A_51] : memref<320000x128xf32, #tpu.memory_space<hbm>> -> memref<16x128xf32, #tpu.memory_space<hbm>>
      %dma_start3A_53 = arith.constant 0 : i32
      %dma_start3A_54 = tpu.memref_slice %arg6[%add3A_47, %dma_start3A_53] : memref<320000x128xf32, #tpu.memory_space<hbm>> -> memref<16x128xf32, #tpu.memory_space<hbm>>
      %dma_start3A_55 = arith.constant 0 : i32
      %dma_start3A_56 = arith.constant 0 : i32
      %dma_start3A_57 = tpu.memref_slice %arg10[%dma_start3A_55, %dma_start3A_56] : memref<128x128xf32, #tpu.memory_space<vmem>> -> memref<16x128xf32, #tpu.memory_space<vmem>>
      tpu.enqueue_dma source(%dma_start3A_57 : memref<16x128xf32, #tpu.memory_space<vmem>>) target(%dma_start3A_54 : memref<16x128xf32, #tpu.memory_space<hbm>>) target_semaphore(%run_scoped3A : memref<!tpu.dma_semaphore, #tpu.memory_space<semaphore_mem>>)
      %dma_wait3A_58 = arith.constant 0 : i32
      %dma_wait3A_59 = arith.constant 0 : i32
      %dma_wait3A_60 = tpu.memref_slice %arg10[%dma_wait3A_58, %dma_wait3A_59] : memref<128x128xf32, #tpu.memory_space<vmem>> -> memref<16x128xf32, #tpu.memory_space<vmem>>
      %dma_wait3A_61 = arith.constant 0 : i32
      %dma_wait3A_62 = tpu.memref_slice %arg6[%add3A_47, %dma_wait3A_61] : memref<320000x128xf32, #tpu.memory_space<hbm>> -> memref<16x128xf32, #tpu.memory_space<hbm>>
      %dma_wait3A_63 = arith.constant 0 : i32
      %dma_wait3A_64 = tpu.memref_slice %arg6[%add3A_47, %dma_wait3A_63] : memref<320000x128xf32, #tpu.memory_space<hbm>> -> memref<16x128xf32, #tpu.memory_space<hbm>>
      %dma_wait3A_65 = arith.constant 0 : i32
      %dma_wait3A_66 = arith.constant 0 : i32
      %dma_wait3A_67 = tpu.memref_slice %arg10[%dma_wait3A_65, %dma_wait3A_66] : memref<128x128xf32, #tpu.memory_space<vmem>> -> memref<16x128xf32, #tpu.memory_space<vmem>>
      tpu.wait_dma2 semaphore(%run_scoped3A : memref<!tpu.dma_semaphore, #tpu.memory_space<semaphore_mem>>) src(%dma_wait3A_67 : memref<16x128xf32, #tpu.memory_space<vmem>>) dst(%dma_wait3A_64 : memref<16x128xf32, #tpu.memory_space<hbm>>)
      tpu.yield
    }) : () -> ()
    return
  }
}

#map = affine_map<(d0, d1) -> (0)>
#map1 = affine_map<(d0, d1) -> (0, 0)>
#map2 = affine_map<(d0, d1) -> (0, 0, 0)>
module attributes {stable_mosaic.version = 14 : i64} {
  func.func @k(%arg0: i32, %arg1: i32, %arg2: memref<320000xi32, #tpu.memory_space<hbm>>, %arg3: memref<320000x128xf32, #tpu.memory_space<hbm>>, %arg4: memref<10000x128xf32, #tpu.memory_space<hbm>>, %arg5: memref<2x10000x128xf32, #tpu.memory_space<hbm>>, %arg6: memref<128xi32, #tpu.memory_space<vmem>>, %arg7: memref<128x128xf32, #tpu.memory_space<vmem>>, %arg8: memref<128xi32, #tpu.memory_space<vmem>>, %arg9: memref<128x128xf32, #tpu.memory_space<vmem>>, %arg10: memref<16xi32, #tpu.memory_space<vmem>>, %arg11: memref<16x128xf32, #tpu.memory_space<vmem>>, %arg12: memref<10000x128xf32, #tpu.memory_space<vmem_shared>>, %arg13: memref<!tpu.dma_semaphore, #tpu.memory_space<semaphore_mem>>, %arg14: memref<!tpu.dma_semaphore, #tpu.memory_space<semaphore_mem>>, %arg15: memref<!tpu.dma_semaphore, #tpu.memory_space<semaphore_mem>>, %arg16: memref<!tpu.dma_semaphore, #tpu.memory_space<semaphore_mem>>) attributes {dimension_semantics = [#tpu.dimension_semantics<core_parallel>, #tpu.dimension_semantics<subcore_parallel>], iteration_bounds = array<i64: 2, 16>, scalar_prefetch = 0 : i64, scratch_operands = 11 : i64, tpu.core_type = #tpu.core_type<sc_vector_subcore>, window_params = [{transform_indices = #map}, {transform_indices = #map1}, {transform_indices = #map1}, {transform_indices = #map2}]} {
    %mul3A = arith.constant 2 : i32
    %mul3A_0 = arith.muli %arg1, %mul3A : i32
    %add3A = arith.addi %mul3A_0, %arg0 : i32
    %mul3A_1 = arith.constant 10000 : i32
    %mul3A_2 = arith.muli %add3A, %mul3A_1 : i32
    %multiple_of3A = tpu.assume_multiple %mul3A_2, 8 : i32
    %eq3A = arith.constant 0 : i32
    %eq3A_3 = arith.cmpi eq, %arg1, %eq3A : i32
    %convert_element_type3A = arith.extui %eq3A_3 : i1 to i32
    %cond3A = arith.constant 0 : i32
    %cond3A_4 = arith.cmpi ne, %convert_element_type3A, %cond3A : i32
    scf.if %cond3A_4 {
      "tpu.region"() ({
        %run_scoped3A = tpu.sem_alloc : memref<!tpu.dma_semaphore, #tpu.memory_space<semaphore_mem>>
        tpu.enqueue_dma source(%arg4 : memref<10000x128xf32, #tpu.memory_space<hbm>>) target(%arg12 : memref<10000x128xf32, #tpu.memory_space<vmem_shared>>) target_semaphore(%run_scoped3A : memref<!tpu.dma_semaphore, #tpu.memory_space<semaphore_mem>>)
        tpu.wait_dma2 semaphore(%run_scoped3A : memref<!tpu.dma_semaphore, #tpu.memory_space<semaphore_mem>>) src(%arg4 : memref<10000x128xf32, #tpu.memory_space<hbm>>) dst(%arg12 : memref<10000x128xf32, #tpu.memory_space<vmem_shared>>)
        tpu.yield
      }) : () -> ()
    } else {
    }
    %barrier3A = arith.constant 0 : index
    tpu.barrier barrier_id(%barrier3A)
    %add3A_5 = arith.constant 0 : i32
    %add3A_6 = arith.addi %multiple_of3A, %add3A_5 : i32
    %multiple_of3A_7 = tpu.assume_multiple %add3A_6, 8 : i32
    %dma_start3A = tpu.memref_slice %arg2[%multiple_of3A_7] : memref<320000xi32, #tpu.memory_space<hbm>> -> memref<128xi32, #tpu.memory_space<hbm>>
    %dma_start3A_8 = tpu.memref_slice %arg2[%multiple_of3A_7] : memref<320000xi32, #tpu.memory_space<hbm>> -> memref<128xi32, #tpu.memory_space<hbm>>
    tpu.enqueue_dma source(%dma_start3A_8 : memref<128xi32, #tpu.memory_space<hbm>>) target(%arg6 : memref<128xi32, #tpu.memory_space<vmem>>) target_semaphore(%arg13 : memref<!tpu.dma_semaphore, #tpu.memory_space<semaphore_mem>>)
    %dma_start3A_9 = arith.constant 0 : i32
    %dma_start3A_10 = tpu.memref_slice %arg3[%multiple_of3A_7, %dma_start3A_9] : memref<320000x128xf32, #tpu.memory_space<hbm>> -> memref<128x128xf32, #tpu.memory_space<hbm>>
    %dma_start3A_11 = arith.constant 0 : i32
    %dma_start3A_12 = tpu.memref_slice %arg3[%multiple_of3A_7, %dma_start3A_11] : memref<320000x128xf32, #tpu.memory_space<hbm>> -> memref<128x128xf32, #tpu.memory_space<hbm>>
    tpu.enqueue_dma source(%dma_start3A_12 : memref<128x128xf32, #tpu.memory_space<hbm>>) target(%arg7 : memref<128x128xf32, #tpu.memory_space<vmem>>) target_semaphore(%arg14 : memref<!tpu.dma_semaphore, #tpu.memory_space<semaphore_mem>>)
    %scan3A = arith.constant 0 : i32
    %scan3A_13 = arith.constant 0 : i32
    %scan3A_14 = arith.constant 39 : i32
    %scan3A_15 = arith.addi %scan3A_13, %scan3A_14 : i32
    %scan3A_16 = arith.constant 1 : i32
    scf.for %scan3A_27 = %scan3A_13 to %scan3A_15 step %scan3A_16  : i32 {
      %mul3A_28 = arith.constant 2 : i32
      %mul3A_29 = arith.muli %scan3A_27, %mul3A_28 : i32
      %add3A_30 = arith.constant 1 : i32
      %add3A_31 = arith.addi %mul3A_29, %add3A_30 : i32
      %mul3A_32 = arith.constant 128 : i32
      %mul3A_33 = arith.muli %add3A_31, %mul3A_32 : i32
      %add3A_34 = arith.addi %multiple_of3A, %mul3A_33 : i32
      %multiple_of3A_35 = tpu.assume_multiple %add3A_34, 8 : i32
      %dma_start3A_36 = tpu.memref_slice %arg2[%multiple_of3A_35] : memref<320000xi32, #tpu.memory_space<hbm>> -> memref<128xi32, #tpu.memory_space<hbm>>
      %dma_start3A_37 = tpu.memref_slice %arg2[%multiple_of3A_35] : memref<320000xi32, #tpu.memory_space<hbm>> -> memref<128xi32, #tpu.memory_space<hbm>>
      tpu.enqueue_dma source(%dma_start3A_37 : memref<128xi32, #tpu.memory_space<hbm>>) target(%arg8 : memref<128xi32, #tpu.memory_space<vmem>>) target_semaphore(%arg15 : memref<!tpu.dma_semaphore, #tpu.memory_space<semaphore_mem>>)
      %dma_start3A_38 = arith.constant 0 : i32
      %dma_start3A_39 = tpu.memref_slice %arg3[%multiple_of3A_35, %dma_start3A_38] : memref<320000x128xf32, #tpu.memory_space<hbm>> -> memref<128x128xf32, #tpu.memory_space<hbm>>
      %dma_start3A_40 = arith.constant 0 : i32
      %dma_start3A_41 = tpu.memref_slice %arg3[%multiple_of3A_35, %dma_start3A_40] : memref<320000x128xf32, #tpu.memory_space<hbm>> -> memref<128x128xf32, #tpu.memory_space<hbm>>
      tpu.enqueue_dma source(%dma_start3A_41 : memref<128x128xf32, #tpu.memory_space<hbm>>) target(%arg9 : memref<128x128xf32, #tpu.memory_space<vmem>>) target_semaphore(%arg16 : memref<!tpu.dma_semaphore, #tpu.memory_space<semaphore_mem>>)
      %dma_wait3A = arith.constant 0 : i32
      %dma_wait3A_42 = tpu.memref_slice %arg2[%dma_wait3A] : memref<320000xi32, #tpu.memory_space<hbm>> -> memref<128xi32, #tpu.memory_space<hbm>>
      %dma_wait3A_43 = arith.constant 0 : i32
      %dma_wait3A_44 = tpu.memref_slice %arg2[%dma_wait3A_43] : memref<320000xi32, #tpu.memory_space<hbm>> -> memref<128xi32, #tpu.memory_space<hbm>>
      tpu.wait_dma2 semaphore(%arg13 : memref<!tpu.dma_semaphore, #tpu.memory_space<semaphore_mem>>) src(%dma_wait3A_44 : memref<128xi32, #tpu.memory_space<hbm>>) dst(%arg6 : memref<128xi32, #tpu.memory_space<vmem>>)
      %dma_wait3A_45 = arith.constant 0 : i32
      %dma_wait3A_46 = arith.constant 0 : i32
      %dma_wait3A_47 = tpu.memref_slice %arg3[%dma_wait3A_45, %dma_wait3A_46] : memref<320000x128xf32, #tpu.memory_space<hbm>> -> memref<128x128xf32, #tpu.memory_space<hbm>>
      %dma_wait3A_48 = arith.constant 0 : i32
      %dma_wait3A_49 = arith.constant 0 : i32
      %dma_wait3A_50 = tpu.memref_slice %arg3[%dma_wait3A_48, %dma_wait3A_49] : memref<320000x128xf32, #tpu.memory_space<hbm>> -> memref<128x128xf32, #tpu.memory_space<hbm>>
      tpu.wait_dma2 semaphore(%arg14 : memref<!tpu.dma_semaphore, #tpu.memory_space<semaphore_mem>>) src(%dma_wait3A_50 : memref<128x128xf32, #tpu.memory_space<hbm>>) dst(%arg7 : memref<128x128xf32, #tpu.memory_space<vmem>>)
      "tpu.region"() ({
        %run_scoped3A = tpu.sem_alloc : memref<!tpu.dma_semaphore, #tpu.memory_space<semaphore_mem>>
        %dma_start3A_67 = arith.constant 0 : i32
        %dma_start3A_68 = arith.constant 0 : i32
        %dma_start3A_69 = tpu.memref_slice %arg12[%dma_start3A_67, %dma_start3A_68] : memref<10000x128xf32, #tpu.memory_space<vmem_shared>> -> memref<10000x128xf32, #tpu.memory_space<vmem_shared>>
        tpu.enqueue_indirect_dma source(%arg7 : memref<128x128xf32, #tpu.memory_space<vmem>>) target(%dma_start3A_69 : memref<10000x128xf32, #tpu.memory_space<vmem_shared>>) offsets(%arg6 : memref<128xi32, #tpu.memory_space<vmem>>) semaphore(%run_scoped3A : memref<!tpu.dma_semaphore, #tpu.memory_space<semaphore_mem>>) {add = true}
        %dma_wait3A_70 = arith.constant 0 : i32
        %dma_wait3A_71 = arith.constant 0 : i32
        %dma_wait3A_72 = tpu.memref_slice %arg12[%dma_wait3A_70, %dma_wait3A_71] : memref<10000x128xf32, #tpu.memory_space<vmem_shared>> -> memref<10000x128xf32, #tpu.memory_space<vmem_shared>>
        tpu.wait_indirect_dma semaphore(%run_scoped3A : memref<!tpu.dma_semaphore, #tpu.memory_space<semaphore_mem>>) src(%arg7 : memref<128x128xf32, #tpu.memory_space<vmem>>) dst(%dma_wait3A_72 : memref<10000x128xf32, #tpu.memory_space<vmem_shared>>)
        tpu.yield
      }) : () -> ()
      %add3A_51 = arith.constant 2 : i32
      %add3A_52 = arith.addi %mul3A_29, %add3A_51 : i32
      %lt3A = arith.constant 78 : i32
      %lt3A_53 = arith.cmpi slt, %add3A_52, %lt3A : i32
      %convert_element_type3A_54 = arith.extui %lt3A_53 : i1 to i32
      %cond3A_55 = arith.constant 0 : i32
      %cond3A_56 = arith.cmpi ne, %convert_element_type3A_54, %cond3A_55 : i32
      scf.if %cond3A_56 {
        %add3A_67 = arith.constant 2 : i32
        %add3A_68 = arith.addi %mul3A_29, %add3A_67 : i32
        %mul3A_69 = arith.constant 128 : i32
        %mul3A_70 = arith.muli %add3A_68, %mul3A_69 : i32
        %add3A_71 = arith.addi %multiple_of3A, %mul3A_70 : i32
        %multiple_of3A_72 = tpu.assume_multiple %add3A_71, 8 : i32
        %dma_start3A_73 = tpu.memref_slice %arg2[%multiple_of3A_72] : memref<320000xi32, #tpu.memory_space<hbm>> -> memref<128xi32, #tpu.memory_space<hbm>>
        %dma_start3A_74 = tpu.memref_slice %arg2[%multiple_of3A_72] : memref<320000xi32, #tpu.memory_space<hbm>> -> memref<128xi32, #tpu.memory_space<hbm>>
        tpu.enqueue_dma source(%dma_start3A_74 : memref<128xi32, #tpu.memory_space<hbm>>) target(%arg6 : memref<128xi32, #tpu.memory_space<vmem>>) target_semaphore(%arg13 : memref<!tpu.dma_semaphore, #tpu.memory_space<semaphore_mem>>)
        %dma_start3A_75 = arith.constant 0 : i32
        %dma_start3A_76 = tpu.memref_slice %arg3[%multiple_of3A_72, %dma_start3A_75] : memref<320000x128xf32, #tpu.memory_space<hbm>> -> memref<128x128xf32, #tpu.memory_space<hbm>>
        %dma_start3A_77 = arith.constant 0 : i32
        %dma_start3A_78 = tpu.memref_slice %arg3[%multiple_of3A_72, %dma_start3A_77] : memref<320000x128xf32, #tpu.memory_space<hbm>> -> memref<128x128xf32, #tpu.memory_space<hbm>>
        tpu.enqueue_dma source(%dma_start3A_78 : memref<128x128xf32, #tpu.memory_space<hbm>>) target(%arg7 : memref<128x128xf32, #tpu.memory_space<vmem>>) target_semaphore(%arg14 : memref<!tpu.dma_semaphore, #tpu.memory_space<semaphore_mem>>)
      } else {
      }
      %dma_wait3A_57 = arith.constant 0 : i32
      %dma_wait3A_58 = tpu.memref_slice %arg2[%dma_wait3A_57] : memref<320000xi32, #tpu.memory_space<hbm>> -> memref<128xi32, #tpu.memory_space<hbm>>
      %dma_wait3A_59 = arith.constant 0 : i32
      %dma_wait3A_60 = tpu.memref_slice %arg2[%dma_wait3A_59] : memref<320000xi32, #tpu.memory_space<hbm>> -> memref<128xi32, #tpu.memory_space<hbm>>
      tpu.wait_dma2 semaphore(%arg15 : memref<!tpu.dma_semaphore, #tpu.memory_space<semaphore_mem>>) src(%dma_wait3A_60 : memref<128xi32, #tpu.memory_space<hbm>>) dst(%arg8 : memref<128xi32, #tpu.memory_space<vmem>>)
      %dma_wait3A_61 = arith.constant 0 : i32
      %dma_wait3A_62 = arith.constant 0 : i32
      %dma_wait3A_63 = tpu.memref_slice %arg3[%dma_wait3A_61, %dma_wait3A_62] : memref<320000x128xf32, #tpu.memory_space<hbm>> -> memref<128x128xf32, #tpu.memory_space<hbm>>
      %dma_wait3A_64 = arith.constant 0 : i32
      %dma_wait3A_65 = arith.constant 0 : i32
      %dma_wait3A_66 = tpu.memref_slice %arg3[%dma_wait3A_64, %dma_wait3A_65] : memref<320000x128xf32, #tpu.memory_space<hbm>> -> memref<128x128xf32, #tpu.memory_space<hbm>>
      tpu.wait_dma2 semaphore(%arg16 : memref<!tpu.dma_semaphore, #tpu.memory_space<semaphore_mem>>) src(%dma_wait3A_66 : memref<128x128xf32, #tpu.memory_space<hbm>>) dst(%arg9 : memref<128x128xf32, #tpu.memory_space<vmem>>)
      "tpu.region"() ({
        %run_scoped3A = tpu.sem_alloc : memref<!tpu.dma_semaphore, #tpu.memory_space<semaphore_mem>>
        %dma_start3A_67 = arith.constant 0 : i32
        %dma_start3A_68 = arith.constant 0 : i32
        %dma_start3A_69 = tpu.memref_slice %arg12[%dma_start3A_67, %dma_start3A_68] : memref<10000x128xf32, #tpu.memory_space<vmem_shared>> -> memref<10000x128xf32, #tpu.memory_space<vmem_shared>>
        tpu.enqueue_indirect_dma source(%arg9 : memref<128x128xf32, #tpu.memory_space<vmem>>) target(%dma_start3A_69 : memref<10000x128xf32, #tpu.memory_space<vmem_shared>>) offsets(%arg8 : memref<128xi32, #tpu.memory_space<vmem>>) semaphore(%run_scoped3A : memref<!tpu.dma_semaphore, #tpu.memory_space<semaphore_mem>>) {add = true}
        %dma_wait3A_70 = arith.constant 0 : i32
        %dma_wait3A_71 = arith.constant 0 : i32
        %dma_wait3A_72 = tpu.memref_slice %arg12[%dma_wait3A_70, %dma_wait3A_71] : memref<10000x128xf32, #tpu.memory_space<vmem_shared>> -> memref<10000x128xf32, #tpu.memory_space<vmem_shared>>
        tpu.wait_indirect_dma semaphore(%run_scoped3A : memref<!tpu.dma_semaphore, #tpu.memory_space<semaphore_mem>>) src(%arg9 : memref<128x128xf32, #tpu.memory_space<vmem>>) dst(%dma_wait3A_72 : memref<10000x128xf32, #tpu.memory_space<vmem_shared>>)
        tpu.yield
      }) : () -> ()
    }
    %scan3A_17 = arith.constant 39 : i32
    %add3A_18 = arith.constant 9984 : i32
    %add3A_19 = arith.addi %multiple_of3A, %add3A_18 : i32
    %multiple_of3A_20 = tpu.assume_multiple %add3A_19, 8 : i32
    "tpu.region"() ({
      %run_scoped3A = tpu.sem_alloc : memref<!tpu.dma_semaphore, #tpu.memory_space<semaphore_mem>>
      %dma_start3A_27 = tpu.memref_slice %arg2[%multiple_of3A_20] : memref<320000xi32, #tpu.memory_space<hbm>> -> memref<16xi32, #tpu.memory_space<hbm>>
      %dma_start3A_28 = tpu.memref_slice %arg2[%multiple_of3A_20] : memref<320000xi32, #tpu.memory_space<hbm>> -> memref<16xi32, #tpu.memory_space<hbm>>
      tpu.enqueue_dma source(%dma_start3A_28 : memref<16xi32, #tpu.memory_space<hbm>>) target(%arg10 : memref<16xi32, #tpu.memory_space<vmem>>) target_semaphore(%run_scoped3A : memref<!tpu.dma_semaphore, #tpu.memory_space<semaphore_mem>>)
      %dma_wait3A = tpu.memref_slice %arg2[%multiple_of3A_20] : memref<320000xi32, #tpu.memory_space<hbm>> -> memref<16xi32, #tpu.memory_space<hbm>>
      %dma_wait3A_29 = tpu.memref_slice %arg2[%multiple_of3A_20] : memref<320000xi32, #tpu.memory_space<hbm>> -> memref<16xi32, #tpu.memory_space<hbm>>
      tpu.wait_dma2 semaphore(%run_scoped3A : memref<!tpu.dma_semaphore, #tpu.memory_space<semaphore_mem>>) src(%dma_wait3A_29 : memref<16xi32, #tpu.memory_space<hbm>>) dst(%arg10 : memref<16xi32, #tpu.memory_space<vmem>>)
      tpu.yield
    }) : () -> ()
    "tpu.region"() ({
      %run_scoped3A = tpu.sem_alloc : memref<!tpu.dma_semaphore, #tpu.memory_space<semaphore_mem>>
      %dma_start3A_27 = arith.constant 0 : i32
      %dma_start3A_28 = tpu.memref_slice %arg3[%multiple_of3A_20, %dma_start3A_27] : memref<320000x128xf32, #tpu.memory_space<hbm>> -> memref<16x128xf32, #tpu.memory_space<hbm>>
      %dma_start3A_29 = arith.constant 0 : i32
      %dma_start3A_30 = tpu.memref_slice %arg3[%multiple_of3A_20, %dma_start3A_29] : memref<320000x128xf32, #tpu.memory_space<hbm>> -> memref<16x128xf32, #tpu.memory_space<hbm>>
      tpu.enqueue_dma source(%dma_start3A_30 : memref<16x128xf32, #tpu.memory_space<hbm>>) target(%arg11 : memref<16x128xf32, #tpu.memory_space<vmem>>) target_semaphore(%run_scoped3A : memref<!tpu.dma_semaphore, #tpu.memory_space<semaphore_mem>>)
      %dma_wait3A = arith.constant 0 : i32
      %dma_wait3A_31 = tpu.memref_slice %arg3[%multiple_of3A_20, %dma_wait3A] : memref<320000x128xf32, #tpu.memory_space<hbm>> -> memref<16x128xf32, #tpu.memory_space<hbm>>
      %dma_wait3A_32 = arith.constant 0 : i32
      %dma_wait3A_33 = tpu.memref_slice %arg3[%multiple_of3A_20, %dma_wait3A_32] : memref<320000x128xf32, #tpu.memory_space<hbm>> -> memref<16x128xf32, #tpu.memory_space<hbm>>
      tpu.wait_dma2 semaphore(%run_scoped3A : memref<!tpu.dma_semaphore, #tpu.memory_space<semaphore_mem>>) src(%dma_wait3A_33 : memref<16x128xf32, #tpu.memory_space<hbm>>) dst(%arg11 : memref<16x128xf32, #tpu.memory_space<vmem>>)
      tpu.yield
    }) : () -> ()
    "tpu.region"() ({
      %run_scoped3A = tpu.sem_alloc : memref<!tpu.dma_semaphore, #tpu.memory_space<semaphore_mem>>
      %dma_start3A_27 = arith.constant 0 : i32
      %dma_start3A_28 = arith.constant 0 : i32
      %dma_start3A_29 = tpu.memref_slice %arg12[%dma_start3A_27, %dma_start3A_28] : memref<10000x128xf32, #tpu.memory_space<vmem_shared>> -> memref<10000x128xf32, #tpu.memory_space<vmem_shared>>
      tpu.enqueue_indirect_dma source(%arg11 : memref<16x128xf32, #tpu.memory_space<vmem>>) target(%dma_start3A_29 : memref<10000x128xf32, #tpu.memory_space<vmem_shared>>) offsets(%arg10 : memref<16xi32, #tpu.memory_space<vmem>>) semaphore(%run_scoped3A : memref<!tpu.dma_semaphore, #tpu.memory_space<semaphore_mem>>) {add = true}
      %dma_wait3A = arith.constant 0 : i32
      %dma_wait3A_30 = arith.constant 0 : i32
      %dma_wait3A_31 = tpu.memref_slice %arg12[%dma_wait3A, %dma_wait3A_30] : memref<10000x128xf32, #tpu.memory_space<vmem_shared>> -> memref<10000x128xf32, #tpu.memory_space<vmem_shared>>
      tpu.wait_indirect_dma semaphore(%run_scoped3A : memref<!tpu.dma_semaphore, #tpu.memory_space<semaphore_mem>>) src(%arg11 : memref<16x128xf32, #tpu.memory_space<vmem>>) dst(%dma_wait3A_31 : memref<10000x128xf32, #tpu.memory_space<vmem_shared>>)
      tpu.yield
    }) : () -> ()
    %barrier3A_21 = arith.constant 0 : index
    tpu.barrier barrier_id(%barrier3A_21)
    %eq3A_22 = arith.constant 0 : i32
    %eq3A_23 = arith.cmpi eq, %arg1, %eq3A_22 : i32
    %convert_element_type3A_24 = arith.extui %eq3A_23 : i1 to i32
    %cond3A_25 = arith.constant 0 : i32
    %cond3A_26 = arith.cmpi ne, %convert_element_type3A_24, %cond3A_25 : i32
    scf.if %cond3A_26 {
      "tpu.region"() ({
        %run_scoped3A = tpu.sem_alloc : memref<!tpu.dma_semaphore, #tpu.memory_space<semaphore_mem>>
        %dma_start3A_27 = arith.constant 0 : i32
        %dma_start3A_28 = arith.constant 0 : i32
        %dma_start3A_29 = tpu.memref_slice %arg5[%arg0, %dma_start3A_27, %dma_start3A_28] : memref<2x10000x128xf32, #tpu.memory_space<hbm>> -> memref<1x10000x128xf32, #tpu.memory_space<hbm>>
        %dma_start3A_30 = tpu.memref_squeeze %dma_start3A_29 : memref<1x10000x128xf32, #tpu.memory_space<hbm>> -> memref<10000x128xf32, #tpu.memory_space<hbm>>
        tpu.enqueue_dma source(%arg12 : memref<10000x128xf32, #tpu.memory_space<vmem_shared>>) target(%dma_start3A_30 : memref<10000x128xf32, #tpu.memory_space<hbm>>) target_semaphore(%run_scoped3A : memref<!tpu.dma_semaphore, #tpu.memory_space<semaphore_mem>>)
        %dma_wait3A = arith.constant 0 : i32
        %dma_wait3A_31 = arith.constant 0 : i32
        %dma_wait3A_32 = tpu.memref_slice %arg5[%arg0, %dma_wait3A, %dma_wait3A_31] : memref<2x10000x128xf32, #tpu.memory_space<hbm>> -> memref<1x10000x128xf32, #tpu.memory_space<hbm>>
        %dma_wait3A_33 = tpu.memref_squeeze %dma_wait3A_32 : memref<1x10000x128xf32, #tpu.memory_space<hbm>> -> memref<10000x128xf32, #tpu.memory_space<hbm>>
        tpu.wait_dma2 semaphore(%run_scoped3A : memref<!tpu.dma_semaphore, #tpu.memory_space<semaphore_mem>>) src(%arg12 : memref<10000x128xf32, #tpu.memory_space<vmem_shared>>) dst(%dma_wait3A_33 : memref<10000x128xf32, #tpu.memory_space<hbm>>)
        tpu.yield
      }) : () -> ()
    } else {
    }
    return
  }
}

module attributes {stable_mosaic.version = 14 : i64} {
  func.func @body(%arg0: memref<2500x128xf32, #tpu.memory_space<vmem>>, %arg1: memref<2500x128xf32, #tpu.memory_space<vmem>>, %arg2: memref<2500x128xf32, #tpu.memory_space<vmem>>) attributes {dimension_semantics = [], scalar_prefetch = 0 : i64, scratch_operands = 0 : i64, tpu.core_type = #tpu.core_type<tc>} {
    %get3A = arith.constant 0 : index
    %get3A_0 = arith.constant 0 : index
    %get3A_1 = vector.load %arg0[%get3A, %get3A_0] : memref<2500x128xf32, #tpu.memory_space<vmem>>, vector<2500x128xf32>
    %mul3A = arith.constant 8.000000e+00 : f32
    %mul3A_2 = vector.broadcast %mul3A : f32 to vector<2500x128xf32>
    %mul3A_3 = arith.mulf %get3A_1, %mul3A_2 : vector<2500x128xf32>
    %mul3A_4 = arith.constant 0.392699093 : f32
    %mul3A_5 = vector.broadcast %mul3A_4 : f32 to vector<2500x128xf32>
    %mul3A_6 = arith.mulf %mul3A_3, %mul3A_5 : vector<2500x128xf32>
    %cos3A = math.cos %mul3A_6 : vector<2500x128xf32>
    %add3A = arith.constant 1.000000e+00 : f32
    %add3A_7 = vector.broadcast %add3A : f32 to vector<2500x128xf32>
    %add3A_8 = arith.addf %cos3A, %add3A_7 : vector<2500x128xf32>
    %mul3A_9 = arith.constant 5.000000e-01 : f32
    %mul3A_10 = vector.broadcast %mul3A_9 : f32 to vector<2500x128xf32>
    %mul3A_11 = arith.mulf %mul3A_10, %add3A_8 : vector<2500x128xf32>
    %swap3A = arith.constant 0 : index
    %swap3A_12 = arith.constant 0 : index
    %swap3A_13 = vector.load %arg1[%swap3A, %swap3A_12] : memref<2500x128xf32, #tpu.memory_space<vmem>>, vector<2500x128xf32>
    tpu.vector_store %arg1[%swap3A, %swap3A_12], %mul3A_3 {strides = array<i32>} : memref<2500x128xf32, #tpu.memory_space<vmem>>, vector<2500x128xf32>,
    %lt3A = arith.constant 8.000000e+00 : f32
    %lt3A_14 = vector.broadcast %lt3A : f32 to vector<2500x128xf32>
    %lt3A_15 = arith.cmpf olt, %mul3A_3, %lt3A_14 : vector<2500x128xf32>
    %jit3A = arith.constant 0.000000e+00 : f32
    %broadcast_in_dim3A = vector.broadcast %jit3A : f32 to vector<2500x128xf32>
    %select_n3A = arith.select %lt3A_15, %mul3A_11, %broadcast_in_dim3A : vector<2500x128xi1>, vector<2500x128xf32>
    %swap3A_16 = arith.constant 0 : index
    %swap3A_17 = arith.constant 0 : index
    %swap3A_18 = vector.load %arg2[%swap3A_16, %swap3A_17] : memref<2500x128xf32, #tpu.memory_space<vmem>>, vector<2500x128xf32>
    tpu.vector_store %arg2[%swap3A_16, %swap3A_17], %select_n3A {strides = array<i32>} : memref<2500x128xf32, #tpu.memory_space<vmem>>, vector<2500x128xf32>,
    return
  }
}

module attributes {stable_mosaic.version = 14 : i64} {
  func.func @body(%arg0: i32, %arg1: memref<2560x1xf32, #tpu.memory_space<vmem>>, %arg2: memref<2560x1xf32, #tpu.memory_space<vmem>>, %arg3: memref<2560x128xf32, #tpu.memory_space<vmem>>, %arg4: memref<2560x128xf32, #tpu.memory_space<vmem>>, %arg5: memref<64x128xf32, #tpu.memory_space<vmem>>, %arg6: memref<1x128xf32, #tpu.memory_space<vmem>>, %arg7: memref<64x128xf32, #tpu.memory_space<vmem>>, %arg8: memref<1x128xf32, #tpu.memory_space<vmem>>, %arg9: memref<128x128xf32, #tpu.memory_space<vmem>>, %arg10: memref<1x128xf32, #tpu.memory_space<vmem>>, %arg11: memref<128x128xf32, #tpu.memory_space<vmem>>, %arg12: memref<128x128xf32, #tpu.memory_space<vmem>>, %arg13: memref<128x128xf32, #tpu.memory_space<vmem>>, %arg14: memref<128x16xf32, #tpu.memory_space<vmem>>, %arg15: memref<16x128xf32, #tpu.memory_space<vmem>>, %arg16: memref<2560x128xf32, #tpu.memory_space<vmem>>, %arg17: memref<2560x128xf32, #tpu.memory_space<vmem>>) attributes {dimension_semantics = [#tpu.dimension_semantics<arbitrary>], iteration_bounds = array<i64: 125>, scalar_prefetch = 0 : i64, scratch_operands = 0 : i64, tpu.core_type = #tpu.core_type<tc>, window_params = [{transform_indices = @transform_0, window_bounds = array<i64: 2560, 1>}, {transform_indices = @transform_1, window_bounds = array<i64: 2560, 1>}, {transform_indices = @transform_2, window_bounds = array<i64: 2560, 128>}, {transform_indices = @transform_3, window_bounds = array<i64: 2560, 128>}, {pipeline_mode = #tpu.pipeline_mode<synchronous>, transform_indices = @transform_4, window_bounds = array<i64: 64, 128>}, {pipeline_mode = #tpu.pipeline_mode<synchronous>, transform_indices = @transform_5, window_bounds = array<i64: 1, 128>}, {pipeline_mode = #tpu.pipeline_mode<synchronous>, transform_indices = @transform_6, window_bounds = array<i64: 64, 128>}, {pipeline_mode = #tpu.pipeline_mode<synchronous>, transform_indices = @transform_7, window_bounds = array<i64: 1, 128>}, {pipeline_mode = #tpu.pipeline_mode<synchronous>, transform_indices = @transform_8, window_bounds = array<i64: 128, 128>}, {pipeline_mode = #tpu.pipeline_mode<synchronous>, transform_indices = @transform_9, window_bounds = array<i64: 1, 128>}, {pipeline_mode = #tpu.pipeline_mode<synchronous>, transform_indices = @transform_10, window_bounds = array<i64: 128, 128>}, {pipeline_mode = #tpu.pipeline_mode<synchronous>, transform_indices = @transform_11, window_bounds = array<i64: 128, 128>}, {pipeline_mode = #tpu.pipeline_mode<synchronous>, transform_indices = @transform_12, window_bounds = array<i64: 128, 128>}, {pipeline_mode = #tpu.pipeline_mode<synchronous>, transform_indices = @transform_13, window_bounds = array<i64: 128, 16>}, {pipeline_mode = #tpu.pipeline_mode<synchronous>, transform_indices = @transform_14, window_bounds = array<i64: 16, 128>}, {transform_indices = @transform_15, window_bounds = array<i64: 2560, 128>}, {transform_indices = @transform_16, window_bounds = array<i64: 2560, 128>}]} {
    %get3A = arith.constant 0 : index
    %get3A_0 = arith.constant 0 : index
    %get3A_1 = vector.load %arg1[%get3A, %get3A_0] : memref<2560x1xf32, #tpu.memory_space<vmem>>, vector<2560x1xf32>
    %get3A_2 = arith.constant 0 : index
    %get3A_3 = arith.constant 0 : index
    %get3A_4 = vector.load %arg2[%get3A_2, %get3A_3] : memref<2560x1xf32, #tpu.memory_space<vmem>>, vector<2560x1xf32>
    %iota3A = tpu.iota {dimensions = array<i32: 1>} : vector<2560x64xi32>
    %convert_element_type3A = arith.sitofp %iota3A : vector<2560x64xi32> to vector<2560x64xf32>
    %mul3A = arith.constant 0.126984134 : f32
    %mul3A_5 = vector.broadcast %mul3A : f32 to vector<2560x64xf32>
    %mul3A_6 = arith.mulf %convert_element_type3A, %mul3A_5 : vector<2560x64xf32>
    %sub3A = vector.broadcast %get3A_1 : vector<2560x1xf32> to vector<2560x64xf32>
    %sub3A_7 = arith.subf %sub3A, %mul3A_6 : vector<2560x64xf32>
    %mul3A_8 = arith.constant 7.875000e+00 : f32
    %mul3A_9 = vector.broadcast %mul3A_8 : f32 to vector<2560x64xf32>
    %mul3A_10 = arith.mulf %sub3A_7, %mul3A_9 : vector<2560x64xf32>
    %integer_pow3A = arith.mulf %mul3A_10, %mul3A_10 : vector<2560x64xf32>
    %mul3A_11 = arith.constant -5.000000e-01 : f32
    %mul3A_12 = vector.broadcast %mul3A_11 : f32 to vector<2560x64xf32>
    %mul3A_13 = arith.mulf %mul3A_12, %integer_pow3A : vector<2560x64xf32>
    %exp3A = math.exp %mul3A_13 : vector<2560x64xf32>
    %get3A_14 = arith.constant 0 : index
    %get3A_15 = arith.constant 0 : index
    %get3A_16 = vector.load %arg5[%get3A_14, %get3A_15] : memref<64x128xf32, #tpu.memory_space<vmem>>, vector<64x128xf32>
    %dot_general3A = arith.constant dense<0.000000e+00> : vector<2560x128xf32>
    %dot_general3A_17 = tpu.matmul %exp3A, %get3A_16, %dot_general3A {dimension_numbers = #tpu.dot_dimension_numbers<[1], [0], [0], [1], [0, 0, 1, 1], [], []>, transpose_lhs_hint = false} : vector<2560x64xf32>, vector<64x128xf32>, vector<2560x128xf32> -> vector<2560x128xf32>
    %get3A_18 = arith.constant 0 : index
    %get3A_19 = arith.constant 0 : index
    %get3A_20 = vector.load %arg6[%get3A_18, %get3A_19] : memref<1x128xf32, #tpu.memory_space<vmem>>, vector<1x128xf32>
    %add3A = vector.broadcast %get3A_20 : vector<1x128xf32> to vector<2560x128xf32>
    %add3A_21 = arith.addf %dot_general3A_17, %add3A : vector<2560x128xf32>
    %get3A_22 = arith.constant 0 : index
    %get3A_23 = arith.constant 0 : index
    %get3A_24 = vector.load %arg7[%get3A_22, %get3A_23] : memref<64x128xf32, #tpu.memory_space<vmem>>, vector<64x128xf32>
    %dot_general3A_25 = arith.constant dense<0.000000e+00> : vector<2560x128xf32>
    %dot_general3A_26 = tpu.matmul %exp3A, %get3A_24, %dot_general3A_25 {dimension_numbers = #tpu.dot_dimension_numbers<[1], [0], [0], [1], [0, 0, 1, 1], [], []>, transpose_lhs_hint = false} : vector<2560x64xf32>, vector<64x128xf32>, vector<2560x128xf32> -> vector<2560x128xf32>
    %get3A_27 = arith.constant 0 : index
    %get3A_28 = arith.constant 0 : index
    %get3A_29 = vector.load %arg8[%get3A_27, %get3A_28] : memref<1x128xf32, #tpu.memory_space<vmem>>, vector<1x128xf32>
    %add3A_30 = vector.broadcast %get3A_29 : vector<1x128xf32> to vector<2560x128xf32>
    %add3A_31 = arith.addf %dot_general3A_26, %add3A_30 : vector<2560x128xf32>
    %exp3A_32 = math.exp %add3A_31 : vector<2560x128xf32>
    %add3A_33 = arith.constant 1.000000e+00 : f32
    %add3A_34 = vector.broadcast %add3A_33 : f32 to vector<2560x128xf32>
    %add3A_35 = arith.addf %exp3A_32, %add3A_34 : vector<2560x128xf32>
    %log3A = math.log %add3A_35 : vector<2560x128xf32>
    %sub3A_36 = arith.constant 0.693147182 : f32
    %sub3A_37 = vector.broadcast %sub3A_36 : f32 to vector<2560x128xf32>
    %sub3A_38 = arith.subf %log3A, %sub3A_37 : vector<2560x128xf32>
    %get3A_39 = arith.constant 0 : index
    %get3A_40 = arith.constant 0 : index
    %get3A_41 = vector.load %arg9[%get3A_39, %get3A_40] : memref<128x128xf32, #tpu.memory_space<vmem>>, vector<128x128xf32>
    %dot_general3A_42 = arith.constant dense<0.000000e+00> : vector<2560x128xf32>
    %dot_general3A_43 = tpu.matmul %sub3A_38, %get3A_41, %dot_general3A_42 {dimension_numbers = #tpu.dot_dimension_numbers<[1], [0], [0], [1], [0, 0, 1, 1], [], []>, transpose_lhs_hint = false} : vector<2560x128xf32>, vector<128x128xf32>, vector<2560x128xf32> -> vector<2560x128xf32>
    %get3A_44 = arith.constant 0 : index
    %get3A_45 = arith.constant 0 : index
    %get3A_46 = vector.load %arg10[%get3A_44, %get3A_45] : memref<1x128xf32, #tpu.memory_space<vmem>>, vector<1x128xf32>
    %add3A_47 = vector.broadcast %get3A_46 : vector<1x128xf32> to vector<2560x128xf32>
    %add3A_48 = arith.addf %dot_general3A_43, %add3A_47 : vector<2560x128xf32>
    %add3A_49 = arith.addf %add3A_21, %add3A_48 : vector<2560x128xf32>
    %mul3A_50 = vector.broadcast %get3A_4 : vector<2560x1xf32> to vector<2560x128xf32>
    %mul3A_51 = arith.mulf %add3A_49, %mul3A_50 : vector<2560x128xf32>
    %get3A_52 = arith.constant 0 : index
    %get3A_53 = arith.constant 0 : index
    %get3A_54 = vector.load %arg3[%get3A_52, %get3A_53] : memref<2560x128xf32, #tpu.memory_space<vmem>>, vector<2560x128xf32>
    %mul3A_55 = arith.mulf %get3A_54, %mul3A_51 : vector<2560x128xf32>
    %get3A_56 = arith.constant 0 : index
    %get3A_57 = arith.constant 0 : index
    %get3A_58 = vector.load %arg4[%get3A_56, %get3A_57] : memref<2560x128xf32, #tpu.memory_space<vmem>>, vector<2560x128xf32>
    %get3A_59 = arith.constant 0 : index
    %get3A_60 = arith.constant 0 : index
    %get3A_61 = vector.load %arg11[%get3A_59, %get3A_60] : memref<128x128xf32, #tpu.memory_space<vmem>>, vector<128x128xf32>
    %dot_general3A_62 = arith.constant dense<0.000000e+00> : vector<2560x128xf32>
    %dot_general3A_63 = tpu.matmul %get3A_58, %get3A_61, %dot_general3A_62 {dimension_numbers = #tpu.dot_dimension_numbers<[1], [0], [0], [1], [0, 0, 1, 1], [], []>, transpose_lhs_hint = false} : vector<2560x128xf32>, vector<128x128xf32>, vector<2560x128xf32> -> vector<2560x128xf32>
    %get3A_64 = arith.constant 0 : index
    %get3A_65 = arith.constant 0 : index
    %get3A_66 = vector.load %arg12[%get3A_64, %get3A_65] : memref<128x128xf32, #tpu.memory_space<vmem>>, vector<128x128xf32>
    %dot_general3A_67 = arith.constant dense<0.000000e+00> : vector<2560x128xf32>
    %dot_general3A_68 = tpu.matmul %mul3A_55, %get3A_66, %dot_general3A_67 {dimension_numbers = #tpu.dot_dimension_numbers<[1], [0], [0], [1], [0, 0, 1, 1], [], []>, transpose_lhs_hint = false} : vector<2560x128xf32>, vector<128x128xf32>, vector<2560x128xf32> -> vector<2560x128xf32>
    %get3A_69 = arith.constant 0 : index
    %get3A_70 = arith.constant 0 : index
    %get3A_71 = vector.load %arg13[%get3A_69, %get3A_70] : memref<128x128xf32, #tpu.memory_space<vmem>>, vector<128x128xf32>
    %dot_general3A_72 = arith.constant dense<0.000000e+00> : vector<2560x128xf32>
    %dot_general3A_73 = tpu.matmul %mul3A_55, %get3A_71, %dot_general3A_72 {dimension_numbers = #tpu.dot_dimension_numbers<[1], [0], [0], [1], [0, 0, 1, 1], [], []>, transpose_lhs_hint = false} : vector<2560x128xf32>, vector<128x128xf32>, vector<2560x128xf32> -> vector<2560x128xf32>
    %mul3A_74 = arith.mulf %dot_general3A_63, %dot_general3A_68 : vector<2560x128xf32>
    %get3A_75 = arith.constant 0 : index
    %get3A_76 = arith.constant 0 : index
    %get3A_77 = vector.load %arg14[%get3A_75, %get3A_76] : memref<128x16xf32, #tpu.memory_space<vmem>>, vector<128x16xf32>
    %dot_general3A_78 = arith.constant dense<0.000000e+00> : vector<2560x16xf32>
    %dot_general3A_79 = tpu.matmul %mul3A_74, %get3A_77, %dot_general3A_78 {dimension_numbers = #tpu.dot_dimension_numbers<[1], [0], [0], [1], [0, 0, 1, 1], [], []>, transpose_lhs_hint = false} : vector<2560x128xf32>, vector<128x16xf32>, vector<2560x16xf32> -> vector<2560x16xf32>
    %mul3A_80 = arith.constant 2.500000e-01 : f32
    %mul3A_81 = vector.broadcast %mul3A_80 : f32 to vector<2560x16xf32>
    %mul3A_82 = arith.mulf %dot_general3A_79, %mul3A_81 : vector<2560x16xf32>
    %iota3A_83 = tpu.iota {dimensions = array<i32: 1>} : vector<2560x16xi32>
    %lt3A = arith.constant 8 : i32
    %lt3A_84 = vector.broadcast %lt3A : i32 to vector<2560x16xi32>
    %lt3A_85 = arith.cmpi slt, %iota3A_83, %lt3A_84 : vector<2560x16xi32>
    %exp3A_86 = math.exp %mul3A_82 : vector<2560x16xf32>
    %mul3A_87 = vector.broadcast %get3A_4 : vector<2560x1xf32> to vector<2560x16xf32>
    %mul3A_88 = arith.mulf %exp3A_86, %mul3A_87 : vector<2560x16xf32>
    %jit3A = arith.constant 0.000000e+00 : f32
    %broadcast_in_dim3A = vector.broadcast %jit3A : f32 to vector<2560x16xf32>
    %select_n3A = arith.select %lt3A_85, %mul3A_88, %broadcast_in_dim3A : vector<2560x16xi1>, vector<2560x16xf32>
    %get3A_89 = arith.constant 0 : index
    %get3A_90 = arith.constant 0 : index
    %get3A_91 = vector.load %arg15[%get3A_89, %get3A_90] : memref<16x128xf32, #tpu.memory_space<vmem>>, vector<16x128xf32>
    %dot_general3A_92 = arith.constant dense<0.000000e+00> : vector<2560x128xf32>
    %dot_general3A_93 = tpu.matmul %select_n3A, %get3A_91, %dot_general3A_92 {dimension_numbers = #tpu.dot_dimension_numbers<[1], [0], [0], [1], [0, 0, 1, 1], [], []>, transpose_lhs_hint = false} : vector<2560x16xf32>, vector<16x128xf32>, vector<2560x128xf32> -> vector<2560x128xf32>
    %mul3A_94 = arith.mulf %dot_general3A_73, %dot_general3A_93 : vector<2560x128xf32>
    %swap3A = arith.constant 0 : index
    %swap3A_95 = arith.constant 0 : index
    %swap3A_96 = vector.load %arg16[%swap3A, %swap3A_95] : memref<2560x128xf32, #tpu.memory_space<vmem>>, vector<2560x128xf32>
    tpu.vector_store %arg16[%swap3A, %swap3A_95], %mul3A_94 {strides = array<i32>} : memref<2560x128xf32, #tpu.memory_space<vmem>>, vector<2560x128xf32>,
    %swap3A_97 = arith.constant 0 : index
    %swap3A_98 = arith.constant 0 : index
    %swap3A_99 = vector.load %arg17[%swap3A_97, %swap3A_98] : memref<2560x128xf32, #tpu.memory_space<vmem>>, vector<2560x128xf32>
    tpu.vector_store %arg17[%swap3A_97, %swap3A_98], %dot_general3A_93 {strides = array<i32>} : memref<2560x128xf32, #tpu.memory_space<vmem>>, vector<2560x128xf32>,
    return
  }
  func.func @transform_0(%arg0: i32) -> (i32, i32) {
    %c0_i32 = arith.constant 0 : i32
    %c0_i32_0 = arith.constant 0 : i32
    return %arg0, %c0_i32 : i32, i32
  }
  func.func @transform_1(%arg0: i32) -> (i32, i32) {
    %c0_i32 = arith.constant 0 : i32
    %c0_i32_0 = arith.constant 0 : i32
    return %arg0, %c0_i32 : i32, i32
  }
  func.func @transform_2(%arg0: i32) -> (i32, i32) {
    %c0_i32 = arith.constant 0 : i32
    %c0_i32_0 = arith.constant 0 : i32
    return %arg0, %c0_i32 : i32, i32
  }
  func.func @transform_3(%arg0: i32) -> (i32, i32) {
    %c0_i32 = arith.constant 0 : i32
    %c0_i32_0 = arith.constant 0 : i32
    return %arg0, %c0_i32 : i32, i32
  }
  func.func @transform_4(%arg0: i32) -> (i32, i32) {
    %c0_i32 = arith.constant 0 : i32
    %c0_i32_0 = arith.constant 0 : i32
    %c0_i32_1 = arith.constant 0 : i32
    return %c0_i32, %c0_i32_0 : i32, i32
  }
  func.func @transform_5(%arg0: i32) -> (i32, i32) {
    %c0_i32 = arith.constant 0 : i32
    %c0_i32_0 = arith.constant 0 : i32
    %c0_i32_1 = arith.constant 0 : i32
    return %c0_i32, %c0_i32_0 : i32, i32
  }
  func.func @transform_6(%arg0: i32) -> (i32, i32) {
    %c0_i32 = arith.constant 0 : i32
    %c0_i32_0 = arith.constant 0 : i32
    %c0_i32_1 = arith.constant 0 : i32
    return %c0_i32, %c0_i32_0 : i32, i32
  }
  func.func @transform_7(%arg0: i32) -> (i32, i32) {
    %c0_i32 = arith.constant 0 : i32
    %c0_i32_0 = arith.constant 0 : i32
    %c0_i32_1 = arith.constant 0 : i32
    return %c0_i32, %c0_i32_0 : i32, i32
  }
  func.func @transform_8(%arg0: i32) -> (i32, i32) {
    %c0_i32 = arith.constant 0 : i32
    %c0_i32_0 = arith.constant 0 : i32
    %c0_i32_1 = arith.constant 0 : i32
    return %c0_i32, %c0_i32_0 : i32, i32
  }
  func.func @transform_9(%arg0: i32) -> (i32, i32) {
    %c0_i32 = arith.constant 0 : i32
    %c0_i32_0 = arith.constant 0 : i32
    %c0_i32_1 = arith.constant 0 : i32
    return %c0_i32, %c0_i32_0 : i32, i32
  }
  func.func @transform_10(%arg0: i32) -> (i32, i32) {
    %c0_i32 = arith.constant 0 : i32
    %c0_i32_0 = arith.constant 0 : i32
    %c0_i32_1 = arith.constant 0 : i32
    return %c0_i32, %c0_i32_0 : i32, i32
  }
  func.func @transform_11(%arg0: i32) -> (i32, i32) {
    %c0_i32 = arith.constant 0 : i32
    %c0_i32_0 = arith.constant 0 : i32
    %c0_i32_1 = arith.constant 0 : i32
    return %c0_i32, %c0_i32_0 : i32, i32
  }
  func.func @transform_12(%arg0: i32) -> (i32, i32) {
    %c0_i32 = arith.constant 0 : i32
    %c0_i32_0 = arith.constant 0 : i32
    %c0_i32_1 = arith.constant 0 : i32
    return %c0_i32, %c0_i32_0 : i32, i32
  }
  func.func @transform_13(%arg0: i32) -> (i32, i32) {
    %c0_i32 = arith.constant 0 : i32
    %c0_i32_0 = arith.constant 0 : i32
    %c0_i32_1 = arith.constant 0 : i32
    return %c0_i32, %c0_i32_0 : i32, i32
  }
  func.func @transform_14(%arg0: i32) -> (i32, i32) {
    %c0_i32 = arith.constant 0 : i32
    %c0_i32_0 = arith.constant 0 : i32
    %c0_i32_1 = arith.constant 0 : i32
    return %c0_i32, %c0_i32_0 : i32, i32
  }
  func.func @transform_15(%arg0: i32) -> (i32, i32) {
    %c0_i32 = arith.constant 0 : i32
    %c0_i32_0 = arith.constant 0 : i32
    return %arg0, %c0_i32 : i32, i32
  }
  func.func @transform_16(%arg0: i32) -> (i32, i32) {
    %c0_i32 = arith.constant 0 : i32
    %c0_i32_0 = arith.constant 0 : i32
    return %arg0, %c0_i32 : i32, i32
  }
}

module attributes {stable_mosaic.version = 14 : i64} {
  func.func @body(%arg0: i32, %arg1: memref<1000x128xf32, #tpu.memory_space<vmem>>, %arg2: memref<1000x128xf32, #tpu.memory_space<vmem>>, %arg3: memref<1000x128xf32, #tpu.memory_space<vmem>>, %arg4: memref<1000x128xf32, #tpu.memory_space<vmem>>, %arg5: memref<1000x128xf32, #tpu.memory_space<vmem>>, %arg6: memref<128x128xf32, #tpu.memory_space<vmem>>, %arg7: memref<1x128xf32, #tpu.memory_space<vmem>>, %arg8: memref<1x128xf32, #tpu.memory_space<vmem>>, %arg9: memref<1000x128xf32, #tpu.memory_space<vmem>>) attributes {dimension_semantics = [#tpu.dimension_semantics<arbitrary>], iteration_bounds = array<i64: 10>, scalar_prefetch = 0 : i64, scratch_operands = 0 : i64, tpu.core_type = #tpu.core_type<tc>, window_params = [{transform_indices = @transform_0, window_bounds = array<i64: 1000, 128>}, {transform_indices = @transform_1, window_bounds = array<i64: 1000, 128>}, {transform_indices = @transform_2, window_bounds = array<i64: 1000, 128>}, {transform_indices = @transform_3, window_bounds = array<i64: 1000, 128>}, {transform_indices = @transform_4, window_bounds = array<i64: 1000, 128>}, {pipeline_mode = #tpu.pipeline_mode<synchronous>, transform_indices = @transform_5, window_bounds = array<i64: 128, 128>}, {pipeline_mode = #tpu.pipeline_mode<synchronous>, transform_indices = @transform_6, window_bounds = array<i64: 1, 128>}, {pipeline_mode = #tpu.pipeline_mode<synchronous>, transform_indices = @transform_7, window_bounds = array<i64: 1, 128>}, {transform_indices = @transform_8, window_bounds = array<i64: 1000, 128>}]} {
    %get3A = arith.constant 0 : index
    %get3A_0 = arith.constant 0 : index
    %get3A_1 = vector.load %arg3[%get3A, %get3A_0] : memref<1000x128xf32, #tpu.memory_space<vmem>>, vector<1000x128xf32>
    %get3A_2 = arith.constant 0 : index
    %get3A_3 = arith.constant 0 : index
    %get3A_4 = vector.load %arg4[%get3A_2, %get3A_3] : memref<1000x128xf32, #tpu.memory_space<vmem>>, vector<1000x128xf32>
    %add3A = arith.addf %get3A_1, %get3A_4 : vector<1000x128xf32>
    %add3A_5 = arith.constant 9.99999971E-10 : f32
    %add3A_6 = vector.broadcast %add3A_5 : f32 to vector<1000x128xf32>
    %add3A_7 = arith.addf %add3A, %add3A_6 : vector<1000x128xf32>
    %get3A_8 = arith.constant 0 : index
    %get3A_9 = arith.constant 0 : index
    %get3A_10 = vector.load %arg1[%get3A_8, %get3A_9] : memref<1000x128xf32, #tpu.memory_space<vmem>>, vector<1000x128xf32>
    %get3A_11 = arith.constant 0 : index
    %get3A_12 = arith.constant 0 : index
    %get3A_13 = vector.load %arg2[%get3A_11, %get3A_12] : memref<1000x128xf32, #tpu.memory_space<vmem>>, vector<1000x128xf32>
    %add3A_14 = arith.addf %get3A_10, %get3A_13 : vector<1000x128xf32>
    %div3A = arith.divf %add3A_14, %add3A_7 : vector<1000x128xf32>
    %get3A_15 = arith.constant 0 : index
    %get3A_16 = arith.constant 0 : index
    %get3A_17 = vector.load %arg6[%get3A_15, %get3A_16] : memref<128x128xf32, #tpu.memory_space<vmem>>, vector<128x128xf32>
    %dot_general3A = arith.constant dense<0.000000e+00> : vector<1000x128xf32>
    %dot_general3A_18 = tpu.matmul %div3A, %get3A_17, %dot_general3A {dimension_numbers = #tpu.dot_dimension_numbers<[1], [0], [0], [1], [0, 0, 1, 1], [], []>, transpose_lhs_hint = false} : vector<1000x128xf32>, vector<128x128xf32>, vector<1000x128xf32> -> vector<1000x128xf32>
    %get3A_19 = arith.constant 0 : index
    %get3A_20 = arith.constant 0 : index
    %get3A_21 = vector.load %arg5[%get3A_19, %get3A_20] : memref<1000x128xf32, #tpu.memory_space<vmem>>, vector<1000x128xf32>
    %add3A_22 = arith.addf %get3A_21, %dot_general3A_18 : vector<1000x128xf32>
    %reduce_sum3A = arith.constant dense<0.000000e+00> : vector<1000xf32>
    %reduce_sum3A_23 = vector.multi_reduction <add>, %add3A_22, %reduce_sum3A [1] : vector<1000x128xf32> to vector<1000xf32>
    %broadcast_in_dim3A = vector.shape_cast %reduce_sum3A_23 : vector<1000xf32> to vector<1000x1xf32>
    %div3A_24 = arith.constant 1.280000e+02 : f32
    %div3A_25 = vector.broadcast %div3A_24 : f32 to vector<1000x1xf32>
    %div3A_26 = arith.divf %broadcast_in_dim3A, %div3A_25 : vector<1000x1xf32>
    %sub3A = vector.broadcast %div3A_26 : vector<1000x1xf32> to vector<1000x128xf32>
    %sub3A_27 = arith.subf %add3A_22, %sub3A : vector<1000x128xf32>
    %mul3A = arith.mulf %sub3A_27, %sub3A_27 : vector<1000x128xf32>
    %reduce_sum3A_28 = arith.constant dense<0.000000e+00> : vector<1000xf32>
    %reduce_sum3A_29 = vector.multi_reduction <add>, %mul3A, %reduce_sum3A_28 [1] : vector<1000x128xf32> to vector<1000xf32>
    %broadcast_in_dim3A_30 = vector.shape_cast %reduce_sum3A_29 : vector<1000xf32> to vector<1000x1xf32>
    %div3A_31 = arith.constant 1.280000e+02 : f32
    %div3A_32 = vector.broadcast %div3A_31 : f32 to vector<1000x1xf32>
    %div3A_33 = arith.divf %broadcast_in_dim3A_30, %div3A_32 : vector<1000x1xf32>
    %add3A_34 = arith.constant 9.99999974E-6 : f32
    %add3A_35 = vector.broadcast %add3A_34 : f32 to vector<1000x1xf32>
    %add3A_36 = arith.addf %div3A_33, %add3A_35 : vector<1000x1xf32>
    %rsqrt3A = math.rsqrt %add3A_36 : vector<1000x1xf32>
    %mul3A_37 = vector.broadcast %rsqrt3A : vector<1000x1xf32> to vector<1000x128xf32>
    %mul3A_38 = arith.mulf %sub3A_27, %mul3A_37 : vector<1000x128xf32>
    %get3A_39 = arith.constant 0 : index
    %get3A_40 = arith.constant 0 : index
    %get3A_41 = vector.load %arg7[%get3A_39, %get3A_40] : memref<1x128xf32, #tpu.memory_space<vmem>>, vector<1x128xf32>
    %mul3A_42 = vector.broadcast %get3A_41 : vector<1x128xf32> to vector<1000x128xf32>
    %mul3A_43 = arith.mulf %mul3A_38, %mul3A_42 : vector<1000x128xf32>
    %get3A_44 = arith.constant 0 : index
    %get3A_45 = arith.constant 0 : index
    %get3A_46 = vector.load %arg8[%get3A_44, %get3A_45] : memref<1x128xf32, #tpu.memory_space<vmem>>, vector<1x128xf32>
    %add3A_47 = vector.broadcast %get3A_46 : vector<1x128xf32> to vector<1000x128xf32>
    %add3A_48 = arith.addf %mul3A_43, %add3A_47 : vector<1000x128xf32>
    %swap3A = arith.constant 0 : index
    %swap3A_49 = arith.constant 0 : index
    %swap3A_50 = vector.load %arg9[%swap3A, %swap3A_49] : memref<1000x128xf32, #tpu.memory_space<vmem>>, vector<1000x128xf32>
    tpu.vector_store %arg9[%swap3A, %swap3A_49], %add3A_48 {strides = array<i32>} : memref<1000x128xf32, #tpu.memory_space<vmem>>, vector<1000x128xf32>,
    return
  }
  func.func @transform_0(%arg0: i32) -> (i32, i32) {
    %c0_i32 = arith.constant 0 : i32
    %c0_i32_0 = arith.constant 0 : i32
    return %arg0, %c0_i32 : i32, i32
  }
  func.func @transform_1(%arg0: i32) -> (i32, i32) {
    %c0_i32 = arith.constant 0 : i32
    %c0_i32_0 = arith.constant 0 : i32
    return %arg0, %c0_i32 : i32, i32
  }
  func.func @transform_2(%arg0: i32) -> (i32, i32) {
    %c0_i32 = arith.constant 0 : i32
    %c0_i32_0 = arith.constant 0 : i32
    return %arg0, %c0_i32 : i32, i32
  }
  func.func @transform_3(%arg0: i32) -> (i32, i32) {
    %c0_i32 = arith.constant 0 : i32
    %c0_i32_0 = arith.constant 0 : i32
    return %arg0, %c0_i32 : i32, i32
  }
  func.func @transform_4(%arg0: i32) -> (i32, i32) {
    %c0_i32 = arith.constant 0 : i32
    %c0_i32_0 = arith.constant 0 : i32
    return %arg0, %c0_i32 : i32, i32
  }
  func.func @transform_5(%arg0: i32) -> (i32, i32) {
    %c0_i32 = arith.constant 0 : i32
    %c0_i32_0 = arith.constant 0 : i32
    %c0_i32_1 = arith.constant 0 : i32
    return %c0_i32, %c0_i32_0 : i32, i32
  }
  func.func @transform_6(%arg0: i32) -> (i32, i32) {
    %c0_i32 = arith.constant 0 : i32
    %c0_i32_0 = arith.constant 0 : i32
    %c0_i32_1 = arith.constant 0 : i32
    return %c0_i32, %c0_i32_0 : i32, i32
  }
  func.func @transform_7(%arg0: i32) -> (i32, i32) {
    %c0_i32 = arith.constant 0 : i32
    %c0_i32_0 = arith.constant 0 : i32
    %c0_i32_1 = arith.constant 0 : i32
    return %c0_i32, %c0_i32_0 : i32, i32
  }
  func.func @transform_8(%arg0: i32) -> (i32, i32) {
    %c0_i32 = arith.constant 0 : i32
    %c0_i32_0 = arith.constant 0 : i32
    return %arg0, %c0_i32 : i32, i32
  }
}

</mosaic_0001>

<sc_bundles>
// kernel: kernel.11.cloned.1.call-start
scs
__scs_entry_jumppad:
0x0: {  	(pc) =	sbr.rel $0x88, $3  }
0x1: {  	(tag) =	ssettag $0x0;
	lr =	simm.s32 $0x1  }
0x2: {  	[smem:$0x3F92] =	sst lr;
	_ =	strace $0xD0000000  }
0x3: {  	_ = 	snop  }
0x4: {  	_ = 	snop  }
0x5: {  	_ = 	snop  }
0x6: {  	_ = 	snop  }
0x7: {  	_ = 	snop  }
__scs_overlays_trampoline_lowered:
0x8: {  	[smem:$0x3FA1] =	sst s0  }
0x9: {  	[smem:$0x3FA2] =	sst s1  }
0xa: {  	[smem:$0x3FA3] =	sst s2  }
0xb: {  	[smem:$0x3FA4] =	sst s3  }
0xc: {  	[smem:$0x3FA5] =	sst s4  }
0xd: {  	[smem:$0x3FA6] =	sst s5  }
0xe: {  	[smem:$0x3FA7] =	sst s6  }
0xf: {  	[smem:$0x3FA8] =	sst s7  }
0x10: {  	[smem:$0x3FA9] =	sst s8  }
0x11: {  	[smem:$0x3FAA] =	sst s9;
	s0 =	simm.s32 @!p0 $0x0  }
0x12: {  	s1 =	sld [smem:$0x3F90];
	s0 =	simm.s32 @p0 $0x1  }
0x13: {  	[smem:$0x3FAB] =	sst s0;
	s0 =	simm.s32 @!p1 $0x0  }
0x14: {  	s2 =	sld [smem:$0x3F8F];
	s0 =	simm.s32 @p1 $0x1  }
0x15: {  	[smem:$0x3FAC] =	sst s0;
	s0 =	simm.s32 @!p2 $0x0  }
0x16: {  	s3 =	sld [smem:$0x3FDB];
	s0 =	simm.s32 @p2 $0x1  }
0x17: {  	s4 =	simm.s32 $0x1BF5;
	[smem:$0x3FAE] =	sst s0  }
0x18: {  	s0 =	sld [smem:$0x3F91];
	_ =	swait.ge [sflag:s4], $0x0  }
0x19: {  	s7 =	sld [smem:$0x3F92]  }
0x1a: {  	s8 =	sadd.s32 $0xFFFFE003, lr  }
0x1b: {  	s9 =	sadd.s32 $0xFFFFFEF7, lr;
	s5 =	simm.s32 $0xFFFFFFFF;
	p2 =	slt.u32 s8, $0xFFFFF086  }
0x1c: {  	p1 =	slt.u32 s9, $0xF7A;
	s5 =	simm.s32 @!p2 $0x0  }
0x1d: {  	s5 =	simm.s32 @p1 $0x1;
	p0 =	seq.s32 s7, s2  }
0x1e: {  	s7 =	smul.u32 @!p0 $0xF7A, s2;
	p2 =	seq.s32 @!p0 s5, $0x0  }
0x1f: {  	s9 =	smul.u32 $0xF7A, s1;
	s8 =	simm.s32 @!p0 $0x1BF5;
	p2 =	por !p2, p0  }
0x20: {  	[sflag:s8] =	ssyncset.s32 @!p0 $0xFFFFF086;
	s6 =	sadd.s32 @!p0 s3, s7;
	s7 =	simm.s32 @!p0 $0x108  }
0x21: {  	s3 =	sadd.s32 s3, s9;
	s6 =	sadd.s32 @!p0 $0x88, s6;
	s7 =	simm.s32 @p2 $0x1082  }
0x22: {  	[simem:s7], [sflag:s8] =	dma.local @!p0 [hbm:s6], $0xF7A  }
0x23: {  	s9 =	sor.u32 $0xD0000000, s2;
	s6 =	simm.s32 $0x108;
	_ =	swait.ge @!p0 [sflag:s8], $0x0  }
0x24: {  	s3 =	sadd.s32 $0x88, s3;
	s6 =	simm.s32 @!p1 $0x1082;
	[sflag:s4] =	ssyncset.s32 $0xFFFFF086  }
0x25: {  	[simem:s6], [sflag:s4] =	dma.local [hbm:s3], $0xF7A  }
0x26: {  	[smem:$0x3F92] =	sst s1;
	(tag) =	ssettag s2;
	_ =	strace s9  }
0x27: {  	s1 =	sld [smem:$0x3FA2]  }
0x28: {  	s2 =	sld [smem:$0x3FA3]  }
0x29: {  	s4 =	sld [smem:$0x3FA5]  }
0x2a: {  	p0 =	seq.s32 s5, $0x0;
	s5 =	sld [smem:$0x3FA6]  }
0x2b: {  	s6 =	sld [smem:$0x3FA7]  }
0x2c: {  	s7 =	sld [smem:$0x3FA8]  }
0x2d: {  	s3 =	simm.s32 $0x108;
	s8 =	sld [smem:$0x3FA9]  }
0x2e: {  	s3 =	simm.s32 @!p0 $0x1082;
	s9 =	sld [smem:$0x3FAA]  }
0x2f: {  	lr =	sadd.s32 s0, s3;
	s0 =	sld [smem:$0x3FA1]  }
0x30: {  	s3 =	sld [smem:$0x3FA4]  }
0x31: {  	[smem:$0x3FAD] =	sst s10  }
0x32: {  	s10 =	sld [smem:$0x3FAB];
	_ =	sdelay $0x3  }
0x33: {  	p0 =	seq.s32 s10, $0x1;
	s10 =	sld [smem:$0x3FAD];
	_ =	sdelay $0x3  }
0x34: {  	[smem:$0x3FAD] =	sst s10  }
0x35: {  	s10 =	sld [smem:$0x3FAC];
	_ =	sdelay $0x3  }
0x36: {  	p1 =	seq.s32 s10, $0x1;
	s10 =	sld [smem:$0x3FAD];
	_ =	sdelay $0x3  }
0x37: {  	[smem:$0x3FAD] =	sst s10  }
0x38: {  	s10 =	sld [smem:$0x3FAE]  }
0x39: {  	_ = 	snop;
	(pc) =	sbr.ind lr, $3  }
0x3a: {  	_ = 	snop  }
0x3b: {  	_ = 	snop  }
0x3c: {  	p2 =	seq.s32 s10, $0x1;
	s10 =	sld [smem:$0x3FAD]  }
0x3d: {  	_ =	shalt  }
0x3e: {  	_ =	shalt  }
0x3f: {  	_ =	shalt  }
0x40: {  	_ =	shalt  }
0x41: {  	_ =	shalt  }
0x42: {  	_ =	shalt  }
0x43: {  	_ =	shalt  }
0x44: {  	_ =	shalt  }
0x45: {  	_ =	shalt  }
0x46: {  	_ =	shalt  }
0x47: {  	_ =	shalt  }
0x48: {  	_ =	shalt  }
0x49: {  	_ =	shalt  }
0x4a: {  	_ =	shalt  }
0x4b: {  	_ =	shalt  }
0x4c: {  	_ =	shalt  }
0x4d: {  	_ =	shalt  }
0x4e: {  	_ =	shalt  }
0x4f: {  	_ =	shalt  }
0x50: {  	_ =	shalt  }
0x51: {  	_ =	shalt  }
0x52: {  	_ =	shalt  }
0x53: {  	_ =	shalt  }
0x54: {  	_ =	shalt  }
0x55: {  	_ =	shalt  }
0x56: {  	_ =	shalt  }
0x57: {  	_ =	shalt  }
0x58: {  	_ =	shalt  }
0x59: {  	_ =	shalt  }
0x5a: {  	_ =	shalt  }
0x5b: {  	_ =	shalt  }
0x5c: {  	_ =	shalt  }
0x5d: {  	_ =	shalt  }
0x5e: {  	_ =	shalt  }
0x5f: {  	_ =	shalt  }
0x60: {  	_ =	shalt  }
0x61: {  	_ =	shalt  }
0x62: {  	_ =	shalt  }
0x63: {  	_ =	shalt  }
0x64: {  	_ =	shalt  }
0x65: {  	_ =	shalt  }
0x66: {  	_ =	shalt  }
0x67: {  	_ =	shalt  }
0x68: {  	_ =	shalt  }
0x69: {  	_ =	shalt  }
0x6a: {  	_ =	shalt  }
0x6b: {  	_ =	shalt  }
0x6c: {  	_ =	shalt  }
0x6d: {  	_ =	shalt  }
0x6e: {  	_ =	shalt  }
0x6f: {  	_ =	shalt  }
0x70: {  	_ =	shalt  }
0x71: {  	_ =	shalt  }
0x72: {  	_ =	shalt  }
0x73: {  	_ =	shalt  }
0x74: {  	_ =	shalt  }
0x75: {  	_ =	shalt  }
0x76: {  	_ =	shalt  }
0x77: {  	_ =	shalt  }
0x78: {  	_ =	shalt  }
0x79: {  	_ =	shalt  }
0x7a: {  	_ =	shalt  }
0x7b: {  	_ =	shalt  }
0x7c: {  	_ =	shalt  }
0x7d: {  	_ =	shalt  }
0x7e: {  	_ =	shalt  }
0x7f: {  	_ =	shalt  }
0x80: {  	_ =	shalt  }
0x81: {  	_ =	shalt  }
0x82: {  	_ =	shalt  }
0x83: {  	_ =	shalt  }
0x84: {  	_ =	shalt  }
0x85: {  	_ =	shalt  }
0x86: {  	_ =	shalt  }
0x87: {  	_ =	shalt  }
.Lfunc_end0:
.L_simem_size_0:
called_computation.1_lowered:
.L_overlay_start_0:
0x88: {  	s2 =	sld [smem:$0x3FD9]  }
0x89: {  	s3 =	sld [smem:$0x3FFE];
	_ =	sdelay $0x1  }
0x8a: {  	s1 =	srdreg.scid  }
0x8b: {  	s0 =	sand.u32 $0x1, s1  }
0x8c: {  	s17 =	sshll.u32 s0, $0xA;
	s2 =	sadd.s32 s3, s2  }
0x8d: {  	s2 =	sadd.s32 s2, s17  }
0x8e: {  	[smem:$0x3FB9] =	sst s2  }
0x8f: {  	_ = 	snop  }
0x90: {  	s2 =	sld [smem:$0x3FD0];
	(tm) =	ssettm $0x1  }
0x91: {  	s18 =	sld [smem:$0x3FFB];
	_ =	sdelay $0x3  }
0x92: {  	_ =	strace s18  }
0x93: {  	s3 =	sld [smem:$0x3FFC];
	_ =	sdelay $0x3  }
0x94: {  	_ =	strace s3  }
0x95: {  	s3 =	sld [smem:$0x3FFD];
	_ =	sdelay $0x3  }
0x96: {  	_ =	strace s3  }
0x97: {  	_ =	strace $0x8FFFFFFF  }
0x98: {  	s19 =	sld [smem:$0x3FDB];
	_ =	sdelay $0x1  }
0x99: {  	s4 =	simm.s32 $_scs_section_size  }
0x9a: {  	s5 =	simm.s32 $_size__tile_overlayer_lowered;
	s6 =	simm.s32 $_tile_overlayer_lowered  }
0x9b: {  	s22 =	simm.s32 $0x1BFF;
	s21 =	sshll.u32 s6, $0x1;
	s3 =	sadd.s32 s4, s19  }
0x9c: {  	s7 =	simm.s32 $0x0;
	s20 =	sshll.u32 s5, $0x1;
	s5 =	sadd.s32 s21, s3  }
0x9d: {  	[timem:s7], [sflag:s22] =	dma.local [hbm:s5], s20  }
0x9e: {  	_ =	swait.ge [sflag:s22], s20  }
0x9f: {  	s4 =	ssub.s32 $0x0, s20;
	[sflag:s22] =	ssyncset.done $0x0  }
0xa0: {  	[sflag:s22] =	ssyncadd.s32 s4;
	_ =	sdelay $0x1  }
0xa1: {  	s23 =	simm.s32 $0x1B8B  }
0xa2: {  	_ =	swait.ge [sflag:s23], $0x1  }
0xa3: {  	[sflag:s23] =	ssyncset.done $0x0  }
0xa4: {  	s25 =	simm.s32 $0x1B8E;
	s24 =	sld [smem:$0x3FFE];
	[sflag:s23] =	ssyncadd.s32 $0xFFFFFFFF  }
0xa5: {  	s26 =	simm.s32 $execute0_lowered;
	[smem:$0x3FD2] =	sst s25  }
0xa6: {  	s5 =	sshll.u32 s26, $0x1;
	_ =	strace $0x80000049;
	[dreg:$0x1] =	wrdreg $0xFFFFFFFF  }
0xa7: {  	s28 =	simm.s32 $_size_execute0_lowered;
	s3 =	sadd.s32 s3, s5;
	[dreg:$0x0] =	wrdreg $0x0  }
0xa8: {  	s5 =	sshll.u32 s28, $0x1;
	[dreg:$0x2] =	wrdreg s3  }
0xa9: {  	[dreg:$0x3] =	wrdreg s5  }
0xaa: {  	[dreg:$0x4] =	wrdreg $0xC0  }
0xab: {  	_ =	task [dreg:s7], $0x5FFFF  }
0xac: {  	[dreg:$0x1] =	wrdreg $0xFFFFFFFF  }
0xad: {  	[dreg:$0x0] =	wrdreg $0x60  }
0xae: {  	[dreg:$0x2] =	wrdreg s24  }
0xaf: {  	[dreg:$0x3] =	wrdreg s2  }
0xb0: {  	[dreg:$0x4] =	wrdreg $0x89800  }
0xb1: {  	[dreg:$0x5] =	wrdreg $0x9  }
0xb2: {  	_ =	task.clear_ibuf [dreg:s7], $0x6FFFF;
	_ =	strace $0x90000049  }
0xb3: {  	s29 =	simm.s32 $0x9;
	_ =	strace $0x8000004B  }
0xb4: {  	_ =	swait.ge [sflag:s29], $0x1  }
0xb5: {  	[sflag:s29] =	ssyncadd.s32 $0xFFFFFFFF  }
0xb6: {  	_ =	strace $0x9000004B  }
0xb7: {  	_ =	sfence  }
0xb8: {  	s30 =	sld [smem:$0x0];
	_ =	sdelay $0x2  }
0xb9: {  	s31 =	sshll.u32 s1, $0xD;
	s1 =	sshrl.u32 s1, $0x2  }
0xba: {  	s3 =	sand.u32 $0x4000, s31;
	s1 =	sadd.s32 s1, s30  }
0xbb: {  	s0 =	sor.u32 s3, s0;
	s1 =	sshll.u32 s1, $0x11  }
0xbc: {  	s0 =	sor.u32 s1, s0  }
0xbd: {  	s0 =	sadd.s32 $0x8F2B, s0  }
0xbe: {  	[sflag:s0] =	ssyncadd.remote.s32 $0x1  }
0xbf: {  	_ =	sfence.sel $0xFFFF  }
0xc0: {  	[dreg:$0x0] =	wrdreg $0xFFFFFFFF;
	(pc) =	sbr.abs _section_cstart, $3  }
0xc1: {  	[dreg:$0x1] =	wrdreg $0xFFFFFFFF  }
0xc2: {  	_ =	task.clear_ibuf [dreg:s7], $0x2FFFF;
	_ =	strace $0x9FFFFFFF  }
0xc3: {  	(tm) =	ssettm $0x7FFFFFFF  }
tec
execute0_lowered:
.L_overlay_start_1:
0x0: {  	(tag) =	ssettag $0x1  }
0x1: {  	s0 =	rddreg [dreg:$0x0]  }
0x2: {  	s2 =	rddreg [dreg:$0x2]  }
0x3: {  	s3 =	simm.s32 $0x0;
	s1 =	srdreg.scid;
	s14 =	stileid.u32  }
0x4: {  	s19 =	simm.s32 $0x4100;
	s20 =	simm.s32 $0x1;
	s29 =	simm.s32 $0x0  }
0x5: {  	[smem:$0x7FF] =	sst s3;
	s1 =	sand.u32 $0x1, s1;
	s16 =	smul.u32 $0x4E200, s14  }
0x6: {  	s4 =	sshll.u32 s14, $0x1;
	s12 =	sadd.s32 $0x1394A00, s0;
	s18 =	smul.u32 $0x4E20, s14  }
0x7: {  	p0 =	sne.s32 s14, $0x0;
	_ =	strace $0x8000004A;
	s13 =	smul.u32 $0x27100, s1  }
0x8: {  	s5 =	sor.u32 s1, s4;
	s6 =	ssub.s32 $0x2, s1;
	s1 =	smul.u32 $0x2710, s1  }
0x9: {  	s4 =	sadd.s32 $0x2C00, s0;
	s8 =	smul.u32 $0x2710, s5;
	s7 =	sshrl.u32 s6, $0x1  }
0xa: {  	s10 =	smul.u32 $0x27100, s5;
	s26 =	sadd.s32 s16, s12;
	s16 =	sshrl.u32 @!p0 s2, $0x3  }
0xb: {  	s0 =	sadd.s32 s13, s0;
	s15 =	ssub.s32 s6, s7;
	s1 =	sadd.s32 s1, s18  }
0xc: {  	s28 =	sadd.s32 s13, s26;
	s18 =	simm.s32 $0x4080;
	s26 =	simm.s32 $0x8180  }
0xd: {  	s9 =	sshrl.u32 s8, $0x3;
	s11 =	sadd.s32 $0x2700, s8;
	s6 =	sadd.s32 s12, s10  }
0xe: {  	s17 =	sadd.s32 $0x2680, s8;
	s10 =	smax.u32 s15, $0x1;
	s30 =	sadd.s32 $0x80, s1  }
0xf: {  	s13 =	sadd.s32 $0x1000, s28;
	s14 =	sadd.s32 $0x100, s1;
	s21 =	sadd.s32 s4, s9  }
0x10: {  	s22 =	sshrl.u32 s11, $0x3;
	s23 =	sshll.u32 s11, $0x4;
	s24 =	sshrl.u32 s17, $0x3  }
0x11: {  	s9 =	sadd.s32 $0xCA00, s0;
	s25 =	sshll.u32 s17, $0x4;
	s31 =	sshrl.u32 s30, $0x3  }
0x12: {  	s17 =	simm.s32 $0x80;
	[dreg:$0x4] =	wrdreg s21;
	s7 =	sadd.s32 s4, s22  }
0x13: {  	s8 =	sadd.s32 s12, s23;
	s11 =	sadd.s32 s4, s24;
	s12 =	sadd.s32 s12, s25  }
0x14: {  	s15 =	sadd.s32 s31, s4;
	s21 =	simm.s32 $0x2;
	s22 =	simm.s32 $0x5  }
0x15: {  	s23 =	simm.s32 $0x3;
	s24 =	simm.s32 $0x4;
	s25 =	simm.s32 $0x8100  }
.LBB2_1:
0x16: {  	s0 =	simm.s32 @!p0 $0x1C05;
	s1 =	rddreg [dreg:$0x1]  }
0x17: {  	[spmem:s16], [sflag:s0] =	dma.local @!p0 [hbm:s1], $0x27100  }
0x18: {  	s0 =	simm.s32 @!p0 $0x5  }
0x19: {  	_ =	swait.ge @!p0 [sflag:s0], $0x27100  }
0x1a: {  	[sflag:s0] =	ssyncset.done @!p0 $0x0  }
0x1b: {  	[sflag:s0] =	ssyncadd.s32 @!p0 $0xFFFD8F00  }
0x1c: {  	[bflag:$0x0] =	sbarrier.arrive $0xFFFF  }
0x1d: {  	s28 =	rddreg [dreg:$0x4]  }
0x1e: {  	[tilespmem:s3], [sflag:$0x1] =	stream.linear.gather [hbm4b:s28+s3], $0x80, $0x38;
	[tilespmem:$0x1C200] =	vst v63  }
0x1f: {  	_ = 	snop  }
0x20: {  	[tilespmem:s17], [sflag:$0x2] =	stream.linear.gather [hbm4b:s6+s3], $0x4000, $0x38;
	[tilespmem:$0x1C200] =	vst v63  }
0x21: {  	s1 =	sadd.s32 $0x0, s15  }
0x22: {  	[tilespmem:s18], [sflag:$0x3] =	stream.linear.gather [hbm4b:s1+s3], $0x80, $0x38;
	[tilespmem:$0x1C200] =	vst v63  }
0x23: {  	s5 =	sadd.s32 $0xFFFFF800, s13  }
0x24: {  	[tilespmem:s19], [sflag:$0x4] =	stream.linear.gather [hbm4b:s5+s3], $0x4000, $0x38;
	[tilespmem:$0x1C200] =	vst v63  }
0x25: {  	_ =	swait.ge [sflag:s20], $0x80  }
0x26: {  	[sflag:s20] =	ssyncset.done $0x0  }
0x27: {  	[sflag:s20] =	ssyncadd.s32 $0xFFFFFF80  }
0x28: {  	_ =	swait.ge [sflag:s21], $0x4000  }
0x29: {  	[sflag:s21] =	ssyncset.done $0x0  }
0x2a: {  	[sflag:s21] =	ssyncadd.s32 $0xFFFFC000  }
0x2b: {  	[spmem:s2] =	stream.indirect.scatter.add.f32 [tilespmem:s17], [sflag:$0x5], $0x80, s3, s17, $0xb8;
	[tilespmem:$0x1C200] =	vst v63  }
0x2c: {  	_ =	swait.ge [sflag:s22], $0x4000  }
0x2d: {  	s28 =	sshrl.u32 s14, $0x3;
	[sflag:s22] =	ssyncset.done $0x0  }
0x2e: {  	s0 =	sadd.s32 s4, s28;
	[sflag:s22] =	ssyncadd.s32 $0xFFFFC000  }
0x2f: {  	[tilespmem:s3], [sflag:$0x1] =	stream.linear.gather [hbm4b:s0+s3], $0x80, $0x38;
	[tilespmem:$0x1C200] =	vst v63  }
0x30: {  	_ = 	snop  }
0x31: {  	[tilespmem:s17], [sflag:$0x2] =	stream.linear.gather [hbm4b:s13+s3], $0x4000, $0x38;
	[tilespmem:$0x1C200] =	vst v63  }
0x32: {  	_ =	swait.ge [sflag:s23], $0x80  }
0x33: {  	[sflag:s23] =	ssyncset.done $0x0  }
0x34: {  	[sflag:s23] =	ssyncadd.s32 $0xFFFFFF80  }
0x35: {  	_ =	swait.ge [sflag:s24], $0x4000  }
0x36: {  	[sflag:s24] =	ssyncset.done $0x0  }
0x37: {  	[sflag:s24] =	ssyncadd.s32 $0xFFFFC000  }
0x38: {  	[spmem:s2] =	stream.indirect.scatter.add.f32 [tilespmem:s19], [sflag:$0x5], $0x80, s18, s17, $0xb8;
	[tilespmem:$0x1C200] =	vst v63  }
0x39: {  	s30 =	sadd.s32 $0x1000, s13;
	s31 =	sadd.s32 $0x100, s14;
	_ =	swait.ge [sflag:s22], $0x4000  }
0x3a: {  	s1 =	simm.s32 $0x40;
	s0 =	simm.s32 $0x20;
	[sflag:s22] =	ssyncset.done $0x0  }
.LBB2_2:
0x3b: {  	s28 =	sadd.s32 s0, s15  }
0x3c: {  	[sflag:s22] =	ssyncadd.s32 $0xFFFFC000;
	s0 =	smov.u32 s1;
	s5 =	sadd.s32 $0x20, s1  }
0x3d: {  	[tilespmem:s18], [sflag:$0x3] =	stream.linear.gather [hbm4b:s28+s3], $0x80, $0x38;
	[tilespmem:$0x1C200] =	vst v63  }
0x3e: {  	p1 =	sne.s32 s1, $0x4A0;
	s1 =	sadd.s32 $0xFFFFF800, s30  }
0x3f: {  	[tilespmem:s19], [sflag:$0x4] =	stream.linear.gather [hbm4b:s1+s3], $0x4000, $0x38;
	[tilespmem:$0x1C200] =	vst v63  }
0x40: {  	_ =	swait.ge [sflag:s20], $0x80  }
0x41: {  	[sflag:s20] =	ssyncset.done $0x0  }
0x42: {  	[sflag:s20] =	ssyncadd.s32 $0xFFFFFF80  }
0x43: {  	_ =	swait.ge [sflag:s21], $0x4000  }
0x44: {  	[sflag:s21] =	ssyncset.done $0x0  }
0x45: {  	[sflag:s21] =	ssyncadd.s32 $0xFFFFC000  }
0x46: {  	[spmem:s2] =	stream.indirect.scatter.add.f32 [tilespmem:s17], [sflag:$0x5], $0x80, s3, s17, $0xb8;
	[tilespmem:$0x1C200] =	vst v63  }
0x47: {  	_ =	swait.ge [sflag:s22], $0x4000  }
0x48: {  	s1 =	sshrl.u32 s31, $0x3;
	[sflag:s22] =	ssyncset.done $0x0  }
0x49: {  	s1 =	sadd.s32 s4, s1;
	[sflag:s22] =	ssyncadd.s32 $0xFFFFC000  }
0x4a: {  	[tilespmem:s3], [sflag:$0x1] =	stream.linear.gather [hbm4b:s1+s3], $0x80, $0x38;
	[tilespmem:$0x1C200] =	vst v63  }
0x4b: {  	_ = 	snop  }
0x4c: {  	[tilespmem:s17], [sflag:$0x2] =	stream.linear.gather [hbm4b:s30+s3], $0x4000, $0x38;
	[tilespmem:$0x1C200] =	vst v63  }
0x4d: {  	_ =	swait.ge [sflag:s23], $0x80  }
0x4e: {  	[sflag:s23] =	ssyncset.done $0x0  }
0x4f: {  	[sflag:s23] =	ssyncadd.s32 $0xFFFFFF80  }
0x50: {  	_ =	swait.ge [sflag:s24], $0x4000  }
.Ltmp0:
0x51: {  	[sflag:s24] =	ssyncset.done $0x0;
	(pc) =	sbr.rel @p1 .LBB2_2-.Ltmp0, $4  }
0x52: {  	[sflag:s24] =	ssyncadd.s32 $0xFFFFC000  }
0x53: {  	[spmem:s2] =	stream.indirect.scatter.add.f32 [tilespmem:s19], [sflag:$0x5], $0x80, s18, s17, $0xb8;
	[tilespmem:$0x1C200] =	vst v63  }
0x54: {  	s31 =	sadd.s32 $0x100, s31;
	_ =	swait.ge [sflag:s22], $0x4000  }
0x55: {  	s1 =	smov.u32 s5;
	s30 =	sadd.s32 $0x1000, s30;
	[sflag:s22] =	ssyncset.done $0x0  }
0x56: {  	s0 =	sadd.s32 s0, s15;
	[sflag:s22] =	ssyncadd.s32 $0xFFFFC000  }
0x57: {  	[tilespmem:s18], [sflag:$0x3] =	stream.linear.gather [hbm4b:s0+s3], $0x80, $0x38;
	[tilespmem:$0x1C200] =	vst v63  }
0x58: {  	s5 =	sadd.s32 $0xFFFFF800, s30  }
0x59: {  	[tilespmem:s19], [sflag:$0x4] =	stream.linear.gather [hbm4b:s5+s3], $0x4000, $0x38;
	[tilespmem:$0x1C200] =	vst v63  }
0x5a: {  	_ =	swait.ge [sflag:s20], $0x80  }
0x5b: {  	[sflag:s20] =	ssyncset.done $0x0  }
0x5c: {  	[sflag:s20] =	ssyncadd.s32 $0xFFFFFF80  }
0x5d: {  	_ =	swait.ge [sflag:s21], $0x4000  }
0x5e: {  	[sflag:s21] =	ssyncset.done $0x0  }
0x5f: {  	[sflag:s21] =	ssyncadd.s32 $0xFFFFC000  }
0x60: {  	[spmem:s2] =	stream.indirect.scatter.add.f32 [tilespmem:s17], [sflag:$0x5], $0x80, s3, s17, $0xb8;
	[tilespmem:$0x1C200] =	vst v63  }
0x61: {  	_ =	swait.ge [sflag:s22], $0x4000  }
0x62: {  	s28 =	sshrl.u32 s31, $0x3;
	[sflag:s22] =	ssyncset.done $0x0  }
0x63: {  	s0 =	sadd.s32 s4, s28;
	[sflag:s22] =	ssyncadd.s32 $0xFFFFC000  }
0x64: {  	[tilespmem:s3], [sflag:$0x1] =	stream.linear.gather [hbm4b:s0+s3], $0x80, $0x38;
	[tilespmem:$0x1C200] =	vst v63  }
0x65: {  	_ = 	snop  }
0x66: {  	[tilespmem:s17], [sflag:$0x2] =	stream.linear.gather [hbm4b:s30+s3], $0x4000, $0x38;
	[tilespmem:$0x1C200] =	vst v63  }
0x67: {  	_ =	swait.ge [sflag:s23], $0x80  }
0x68: {  	[sflag:s23] =	ssyncset.done $0x0  }
0x69: {  	[sflag:s23] =	ssyncadd.s32 $0xFFFFFF80  }
0x6a: {  	_ =	swait.ge [sflag:s24], $0x4000  }
0x6b: {  	[sflag:s24] =	ssyncset.done $0x0  }
0x6c: {  	[sflag:s24] =	ssyncadd.s32 $0xFFFFC000  }
0x6d: {  	[spmem:s2] =	stream.indirect.scatter.add.f32 [tilespmem:s19], [sflag:$0x5], $0x80, s18, s17, $0xb8;
	[tilespmem:$0x1C200] =	vst v63  }
0x6e: {  	_ =	swait.ge [sflag:s22], $0x4000  }
0x6f: {  	[sflag:s22] =	ssyncset.done $0x0  }
0x70: {  	[sflag:s22] =	ssyncadd.s32 $0xFFFFC000  }
0x71: {  	[tilespmem:s18], [sflag:$0x3] =	stream.linear.gather [hbm4b:s11+s3], $0x80, $0x38;
	[tilespmem:$0x1C200] =	vst v63  }
0x72: {  	_ = 	snop  }
0x73: {  	[tilespmem:s19], [sflag:$0x4] =	stream.linear.gather [hbm4b:s12+s3], $0x4000, $0x38;
	[tilespmem:$0x1C200] =	vst v63  }
0x74: {  	_ =	swait.ge [sflag:s20], $0x80  }
0x75: {  	[sflag:s20] =	ssyncset.done $0x0  }
0x76: {  	[sflag:s20] =	ssyncadd.s32 $0xFFFFFF80  }
0x77: {  	_ =	swait.ge [sflag:s21], $0x4000  }
0x78: {  	[sflag:s21] =	ssyncset.done $0x0  }
0x79: {  	[sflag:s21] =	ssyncadd.s32 $0xFFFFC000  }
0x7a: {  	[spmem:s2] =	stream.indirect.scatter.add.f32 [tilespmem:s17], [sflag:$0x5], $0x80, s3, s17, $0xb8;
	[tilespmem:$0x1C200] =	vst v63  }
0x7b: {  	_ =	swait.ge [sflag:s22], $0x4000  }
0x7c: {  	[sflag:s22] =	ssyncset.done $0x0  }
0x7d: {  	[sflag:s22] =	ssyncadd.s32 $0xFFFFC000  }
0x7e: {  	_ =	swait.ge [sflag:s23], $0x80  }
0x7f: {  	[sflag:s23] =	ssyncset.done $0x0  }
0x80: {  	[sflag:s23] =	ssyncadd.s32 $0xFFFFFF80  }
0x81: {  	_ =	swait.ge [sflag:s24], $0x4000  }
0x82: {  	[sflag:s24] =	ssyncset.done $0x0  }
0x83: {  	[sflag:s24] =	ssyncadd.s32 $0xFFFFC000  }
0x84: {  	[spmem:s2] =	stream.indirect.scatter.add.f32 [tilespmem:s19], [sflag:$0x5], $0x80, s18, s17, $0xb8;
	[tilespmem:$0x1C200] =	vst v63  }
0x85: {  	_ =	swait.ge [sflag:s22], $0x4000  }
0x86: {  	[sflag:s22] =	ssyncset.done $0x0  }
0x87: {  	[sflag:s22] =	ssyncadd.s32 $0xFFFFC000  }
0x88: {  	[tilespmem:s25], [sflag:$0x5] =	stream.linear.gather [hbm4b:s7+s3], $0x10, $0x38;
	[tilespmem:$0x1C200] =	vst v63  }
0x89: {  	_ =	swait.ge [sflag:s22], $0x10  }
0x8a: {  	[sflag:s22] =	ssyncset.done $0x0  }
0x8b: {  	[sflag:s22] =	ssyncadd.s32 $0xFFFFFFF0  }
0x8c: {  	[tilespmem:s26], [sflag:$0x5] =	stream.linear.gather [hbm4b:s8+s3], $0x800, $0x38;
	[tilespmem:$0x1C200] =	vst v63  }
0x8d: {  	_ =	swait.ge [sflag:s22], $0x800  }
0x8e: {  	[sflag:s22] =	ssyncset.done $0x0  }
0x8f: {  	s31 =	simm.s32 $0x10;
	[sflag:s22] =	ssyncadd.s32 $0xFFFFF800  }
0x90: {  	[spmem:s2] =	stream.indirect.scatter.add.f32 [tilespmem:s26], [sflag:$0x5], $0x80, s25, s31, $0xb8;
	[tilespmem:$0x1C200] =	vst v63  }
0x91: {  	_ =	swait.ge [sflag:s22], $0x800  }
0x92: {  	[sflag:s22] =	ssyncset.done $0x0  }
0x93: {  	s29 =	sadd.s32 $0x1, s29;
	[sflag:s22] =	ssyncadd.s32 $0xFFFFF800  }
0x94: {  	p1 =	sne.s32 s29, s10;
	s0 =	simm.s32 @!p0 $0x1C05;
	[bflag:$0x0] =	sbarrier.arrive $0xFFFF  }
0x95: {  	[hbm:s9], [sflag:s0] =	dma.local @!p0 [spmem:s16], $0x27100  }
.Ltmp1:
0x96: {  	_ = 	snop;
	(pc) =	sbr.rel @p1 .LBB2_1-.Ltmp1, $4  }
0x97: {  	s0 =	simm.s32 @!p0 $0x5  }
0x98: {  	_ =	swait.ge @!p0 [sflag:s0], $0x27100  }
0x99: {  	[sflag:s0] =	ssyncset.done @!p0 $0x0  }
0x9a: {  	[sflag:s0] =	ssyncadd.s32 @!p0 $0xFFFD8F00  }
0x9b: {  	_ =	sfence.sel $0x180000  }
0x9c: {  	[bflag:$0x0] =	sbarrier.arrive $0xFFFF  }
0x9d: {  	_ =	strace $0x9000004A  }
0x9e: {  	[bflag:$0x2] =	sbarrier.arrive $0xFFFF  }
0x9f: {  	s0 =	rddreg [dreg:$0x3]  }
0xa0: {  	s0 =	sadd.s32 @!p0 $0x100000, s0  }
0xa1: {  	[sflag:s0] =	ssyncadd.tile.s32 @!p0 $0x1;
	_ =	shalt  }
.Lfunc_end2:
_tile_overlayer_lowered:
.L_overlay_start_2:
0xa2: {  	(tag) =	ssettag $0x2  }
0xa3: {  	s0 =	rddreg [dreg:$0x0];
	s2 =	stileid.u32  }
0xa4: {  	s1 =	rddreg [dreg:$0x1];
	p0 =	sne.s32 s2, $0x0  }
0xa5: {  	s3 =	rddreg [dreg:$0x2];
	[bflag:$0x3] =	sbarrier.arrive $0xFFFF;
	s2 =	simm.s32 @!p0 $0x1C05  }
0xa6: {  	[timem:s3], [sflag:s2] =	dma.local @!p0 [hbm:s0], s1  }
0xa7: {  	s0 =	simm.s32 @!p0 $0x5  }
0xa8: {  	_ =	swait.ge @!p0 [sflag:s0], s1  }
0xa9: {  	s1 =	ssub.s32 @!p0 $0x0, s1;
	[sflag:s0] =	ssyncset.done @!p0 $0x0  }
0xaa: {  	[sflag:s0] =	ssyncadd.s32 @!p0 s1  }
0xab: {  	[bflag:$0x3] =	sbarrier.arrive $0xFFFF  }
0xac: {  	_ =	shalt  }

// kernel: kernel.14.cloned.1.call-start
scs
__scs_entry_jumppad:
0x0: {  	(pc) =	sbr.rel $0x88, $3  }
0x1: {  	(tag) =	ssettag $0x0;
	lr =	simm.s32 $0x1  }
0x2: {  	[smem:$0x3F92] =	sst lr;
	_ =	strace $0xD0000000  }
0x3: {  	_ = 	snop  }
0x4: {  	_ = 	snop  }
0x5: {  	_ = 	snop  }
0x6: {  	_ = 	snop  }
0x7: {  	_ = 	snop  }
__scs_overlays_trampoline_lowered:
0x8: {  	[smem:$0x3FA1] =	sst s0  }
0x9: {  	[smem:$0x3FA2] =	sst s1  }
0xa: {  	[smem:$0x3FA3] =	sst s2  }
0xb: {  	[smem:$0x3FA4] =	sst s3  }
0xc: {  	[smem:$0x3FA5] =	sst s4  }
0xd: {  	[smem:$0x3FA6] =	sst s5  }
0xe: {  	[smem:$0x3FA7] =	sst s6  }
0xf: {  	[smem:$0x3FA8] =	sst s7  }
0x10: {  	[smem:$0x3FA9] =	sst s8  }
0x11: {  	[smem:$0x3FAA] =	sst s9;
	s0 =	simm.s32 @!p0 $0x0  }
0x12: {  	s1 =	sld [smem:$0x3F90];
	s0 =	simm.s32 @p0 $0x1  }
0x13: {  	[smem:$0x3FAB] =	sst s0;
	s0 =	simm.s32 @!p1 $0x0  }
0x14: {  	s2 =	sld [smem:$0x3F8F];
	s0 =	simm.s32 @p1 $0x1  }
0x15: {  	[smem:$0x3FAC] =	sst s0;
	s0 =	simm.s32 @!p2 $0x0  }
0x16: {  	s3 =	sld [smem:$0x3FDB];
	s0 =	simm.s32 @p2 $0x1  }
0x17: {  	s4 =	simm.s32 $0x1BF5;
	[smem:$0x3FAE] =	sst s0  }
0x18: {  	s0 =	sld [smem:$0x3F91];
	_ =	swait.ge [sflag:s4], $0x0  }
0x19: {  	s7 =	sld [smem:$0x3F92]  }
0x1a: {  	s8 =	sadd.s32 $0xFFFFE003, lr  }
0x1b: {  	s9 =	sadd.s32 $0xFFFFFEF7, lr;
	s5 =	simm.s32 $0xFFFFFFFF;
	p2 =	slt.u32 s8, $0xFFFFF086  }
0x1c: {  	p1 =	slt.u32 s9, $0xF7A;
	s5 =	simm.s32 @!p2 $0x0  }
0x1d: {  	s5 =	simm.s32 @p1 $0x1;
	p0 =	seq.s32 s7, s2  }
0x1e: {  	s7 =	smul.u32 @!p0 $0xF7A, s2;
	p2 =	seq.s32 @!p0 s5, $0x0  }
0x1f: {  	s9 =	smul.u32 $0xF7A, s1;
	s8 =	simm.s32 @!p0 $0x1BF5;
	p2 =	por !p2, p0  }
0x20: {  	[sflag:s8] =	ssyncset.s32 @!p0 $0xFFFFF086;
	s6 =	sadd.s32 @!p0 s3, s7;
	s7 =	simm.s32 @!p0 $0x108  }
0x21: {  	s3 =	sadd.s32 s3, s9;
	s6 =	sadd.s32 @!p0 $0x88, s6;
	s7 =	simm.s32 @p2 $0x1082  }
0x22: {  	[simem:s7], [sflag:s8] =	dma.local @!p0 [hbm:s6], $0xF7A  }
0x23: {  	s9 =	sor.u32 $0xD0000000, s2;
	s6 =	simm.s32 $0x108;
	_ =	swait.ge @!p0 [sflag:s8], $0x0  }
0x24: {  	s3 =	sadd.s32 $0x88, s3;
	s6 =	simm.s32 @!p1 $0x1082;
	[sflag:s4] =	ssyncset.s32 $0xFFFFF086  }
0x25: {  	[simem:s6], [sflag:s4] =	dma.local [hbm:s3], $0xF7A  }
0x26: {  	[smem:$0x3F92] =	sst s1;
	(tag) =	ssettag s2;
	_ =	strace s9  }
0x27: {  	s1 =	sld [smem:$0x3FA2]  }
0x28: {  	s2 =	sld [smem:$0x3FA3]  }
0x29: {  	s4 =	sld [smem:$0x3FA5]  }
0x2a: {  	p0 =	seq.s32 s5, $0x0;
	s5 =	sld [smem:$0x3FA6]  }
0x2b: {  	s6 =	sld [smem:$0x3FA7]  }
0x2c: {  	s7 =	sld [smem:$0x3FA8]  }
0x2d: {  	s3 =	simm.s32 $0x108;
	s8 =	sld [smem:$0x3FA9]  }
0x2e: {  	s3 =	simm.s32 @!p0 $0x1082;
	s9 =	sld [smem:$0x3FAA]  }
0x2f: {  	lr =	sadd.s32 s0, s3;
	s0 =	sld [smem:$0x3FA1]  }
0x30: {  	s3 =	sld [smem:$0x3FA4]  }
0x31: {  	[smem:$0x3FAD] =	sst s10  }
0x32: {  	s10 =	sld [smem:$0x3FAB];
	_ =	sdelay $0x3  }
0x33: {  	p0 =	seq.s32 s10, $0x1;
	s10 =	sld [smem:$0x3FAD];
	_ =	sdelay $0x3  }
0x34: {  	[smem:$0x3FAD] =	sst s10  }
0x35: {  	s10 =	sld [smem:$0x3FAC];
	_ =	sdelay $0x3  }
0x36: {  	p1 =	seq.s32 s10, $0x1;
	s10 =	sld [smem:$0x3FAD];
	_ =	sdelay $0x3  }
0x37: {  	[smem:$0x3FAD] =	sst s10  }
0x38: {  	s10 =	sld [smem:$0x3FAE]  }
0x39: {  	_ = 	snop;
	(pc) =	sbr.ind lr, $3  }
0x3a: {  	_ = 	snop  }
0x3b: {  	_ = 	snop  }
0x3c: {  	p2 =	seq.s32 s10, $0x1;
	s10 =	sld [smem:$0x3FAD]  }
0x3d: {  	_ =	shalt  }
0x3e: {  	_ =	shalt  }
0x3f: {  	_ =	shalt  }
0x40: {  	_ =	shalt  }
0x41: {  	_ =	shalt  }
0x42: {  	_ =	shalt  }
0x43: {  	_ =	shalt  }
0x44: {  	_ =	shalt  }
0x45: {  	_ =	shalt  }
0x46: {  	_ =	shalt  }
0x47: {  	_ =	shalt  }
0x48: {  	_ =	shalt  }
0x49: {  	_ =	shalt  }
0x4a: {  	_ =	shalt  }
0x4b: {  	_ =	shalt  }
0x4c: {  	_ =	shalt  }
0x4d: {  	_ =	shalt  }
0x4e: {  	_ =	shalt  }
0x4f: {  	_ =	shalt  }
0x50: {  	_ =	shalt  }
0x51: {  	_ =	shalt  }
0x52: {  	_ =	shalt  }
0x53: {  	_ =	shalt  }
0x54: {  	_ =	shalt  }
0x55: {  	_ =	shalt  }
0x56: {  	_ =	shalt  }
0x57: {  	_ =	shalt  }
0x58: {  	_ =	shalt  }
0x59: {  	_ =	shalt  }
0x5a: {  	_ =	shalt  }
0x5b: {  	_ =	shalt  }
0x5c: {  	_ =	shalt  }
0x5d: {  	_ =	shalt  }
0x5e: {  	_ =	shalt  }
0x5f: {  	_ =	shalt  }
0x60: {  	_ =	shalt  }
0x61: {  	_ =	shalt  }
0x62: {  	_ =	shalt  }
0x63: {  	_ =	shalt  }
0x64: {  	_ =	shalt  }
0x65: {  	_ =	shalt  }
0x66: {  	_ =	shalt  }
0x67: {  	_ =	shalt  }
0x68: {  	_ =	shalt  }
0x69: {  	_ =	shalt  }
0x6a: {  	_ =	shalt  }
0x6b: {  	_ =	shalt  }
0x6c: {  	_ =	shalt  }
0x6d: {  	_ =	shalt  }
0x6e: {  	_ =	shalt  }
0x6f: {  	_ =	shalt  }
0x70: {  	_ =	shalt  }
0x71: {  	_ =	shalt  }
0x72: {  	_ =	shalt  }
0x73: {  	_ =	shalt  }
0x74: {  	_ =	shalt  }
0x75: {  	_ =	shalt  }
0x76: {  	_ =	shalt  }
0x77: {  	_ =	shalt  }
0x78: {  	_ =	shalt  }
0x79: {  	_ =	shalt  }
0x7a: {  	_ =	shalt  }
0x7b: {  	_ =	shalt  }
0x7c: {  	_ =	shalt  }
0x7d: {  	_ =	shalt  }
0x7e: {  	_ =	shalt  }
0x7f: {  	_ =	shalt  }
0x80: {  	_ =	shalt  }
0x81: {  	_ =	shalt  }
0x82: {  	_ =	shalt  }
0x83: {  	_ =	shalt  }
0x84: {  	_ =	shalt  }
0x85: {  	_ =	shalt  }
0x86: {  	_ =	shalt  }
0x87: {  	_ =	shalt  }
.Lfunc_end0:
.L_simem_size_0:
called_computation.2_lowered:
.L_overlay_start_0:
0x88: {  	s2 =	sld [smem:$0x3FD9]  }
0x89: {  	s3 =	sld [smem:$0x3FFE];
	_ =	sdelay $0x1  }
0x8a: {  	s1 =	srdreg.scid  }
0x8b: {  	s0 =	sand.u32 $0x1, s1  }
0x8c: {  	s17 =	sshll.u32 s0, $0xA;
	s2 =	sadd.s32 s3, s2  }
0x8d: {  	s2 =	sadd.s32 s2, s17  }
0x8e: {  	[smem:$0x3FB9] =	sst s2  }
0x8f: {  	_ = 	snop  }
0x90: {  	s18 =	sld [smem:$0x3FD0];
	(tm) =	ssettm $0x1  }
0x91: {  	s19 =	sld [smem:$0x3FFB];
	_ =	sdelay $0x3  }
0x92: {  	_ =	strace s19  }
0x93: {  	s2 =	sld [smem:$0x3FFC];
	_ =	sdelay $0x3  }
0x94: {  	_ =	strace s2  }
0x95: {  	s2 =	sld [smem:$0x3FFD];
	_ =	sdelay $0x3  }
0x96: {  	_ =	strace s2  }
0x97: {  	_ =	strace $0x8FFFFFFF  }
0x98: {  	s20 =	sld [smem:$0x3FDB];
	_ =	sdelay $0x1  }
0x99: {  	s4 =	simm.s32 $_scs_section_size  }
0x9a: {  	s5 =	simm.s32 $_size__tile_overlayer_lowered;
	s6 =	simm.s32 $_tile_overlayer_lowered  }
0x9b: {  	s7 =	simm.s32 $0x1BFF;
	s21 =	sshll.u32 s6, $0x1;
	s4 =	sadd.s32 s4, s20  }
0x9c: {  	s22 =	simm.s32 $0x0;
	s5 =	sshll.u32 s5, $0x1;
	s6 =	sadd.s32 s21, s4  }
0x9d: {  	[timem:s22], [sflag:s7] =	dma.local [hbm:s6], s5  }
0x9e: {  	_ =	swait.ge [sflag:s7], s5  }
0x9f: {  	s5 =	ssub.s32 $0x0, s5;
	[sflag:s7] =	ssyncset.done $0x0  }
0xa0: {  	[sflag:s7] =	ssyncadd.s32 s5;
	_ =	sdelay $0x1  }
0xa1: {  	s23 =	simm.s32 $0x1B8B  }
0xa2: {  	_ =	swait.ge [sflag:s23], $0x1  }
0xa3: {  	[sflag:s23] =	ssyncset.done $0x0  }
0xa4: {  	[sflag:s23] =	ssyncadd.s32 $0xFFFFFFFF  }
0xa5: {  	s5 =	sld [smem:$0x0]  }
0xa6: {  	s6 =	sand.u32 $0xFFFFFFFE, s1  }
0xa7: {  	p0 =	sne.s32 s1, s6  }
0xa8: {  	s6 =	sshll.u32 @p0 s6, $0xE  }
0xa9: {  	s6 =	sadd.s32 @p0 $0x11B8D, s6;
	s7 =	sshll.u32 @p0 s5, $0x11  }
0xaa: {  	s6 =	sor.u32 @p0 s7, s6  }
0xab: {  	[sflag:s6] =	ssyncadd.remote.s32 @p0 $0x1;
	_ =	sdelay $0x1  }
0xac: {  	s6 =	simm.s32 @p0 $0x1B8D  }
0xad: {  	_ =	swait.eq @p0 [sflag:s6], $0x1  }
0xae: {  	[sflag:s6] =	ssyncadd.s32 @p0 $0xFFFFFFFF  }
0xaf: {  	s7 =	sshll.u32 @!p0 s1, $0xE  }
0xb0: {  	s7 =	sor.u32 @!p0 $0x4000, s7;
	s6 =	simm.s32 @!p0 $0x1B8D  }
0xb1: {  	s5 =	sshll.u32 @!p0 s5, $0x11;
	s7 =	sadd.s32 @!p0 $0x11B8D, s7;
	_ =	swait.eq @!p0 [sflag:s6], $0x1  }
0xb2: {  	s5 =	sor.u32 @!p0 s5, s7;
	[sflag:s6] =	ssyncadd.s32 @!p0 $0xFFFFFFFF  }
0xb3: {  	s25 =	simm.s32 $0x1B8E;
	s24 =	sld [smem:$0x3FFE];
	[sflag:s5] =	ssyncadd.remote.s32 @!p0 $0x1  }
0xb4: {  	s26 =	simm.s32 $execute0_lowered;
	[smem:$0x3FD2] =	sst s25  }
0xb5: {  	s6 =	sshll.u32 s26, $0x1;
	_ =	strace $0x8000004C;
	[dreg:$0x1] =	wrdreg $0xFFFFFFFF  }
0xb6: {  	s28 =	simm.s32 $_size_execute0_lowered;
	s4 =	sadd.s32 s4, s6;
	[dreg:$0x0] =	wrdreg $0x0  }
0xb7: {  	s6 =	sshll.u32 s28, $0x1;
	[dreg:$0x2] =	wrdreg s4  }
0xb8: {  	[dreg:$0x3] =	wrdreg s6  }
0xb9: {  	[dreg:$0x4] =	wrdreg $0xC0  }
0xba: {  	_ =	task [dreg:s22], $0x5FFFF  }
0xbb: {  	[dreg:$0x1] =	wrdreg $0xFFFFFFFF  }
0xbc: {  	[dreg:$0x0] =	wrdreg $0x60  }
0xbd: {  	[dreg:$0x2] =	wrdreg s24  }
0xbe: {  	[dreg:$0x3] =	wrdreg s18  }
0xbf: {  	[dreg:$0x4] =	wrdreg $0x89800  }
0xc0: {  	[dreg:$0x5] =	wrdreg $0xA  }
0xc1: {  	_ =	task.clear_ibuf [dreg:s22], $0x6FFFF;
	_ =	strace $0x9000004C  }
0xc2: {  	s29 =	simm.s32 $0xA;
	_ =	strace $0x8000004E  }
0xc3: {  	_ =	swait.ge [sflag:s29], $0x1  }
0xc4: {  	[sflag:s29] =	ssyncadd.s32 $0xFFFFFFFF  }
0xc5: {  	_ =	strace $0x9000004E  }
0xc6: {  	_ =	sfence  }
0xc7: {  	s30 =	sld [smem:$0x0];
	_ =	sdelay $0x2  }
0xc8: {  	s31 =	sshll.u32 s1, $0xD;
	s1 =	sshrl.u32 s1, $0x2  }
0xc9: {  	s4 =	sand.u32 $0x4000, s31;
	s1 =	sadd.s32 s1, s30  }
0xca: {  	s0 =	sor.u32 s4, s0;
	s1 =	sshll.u32 s1, $0x11  }
0xcb: {  	s0 =	sor.u32 s1, s0  }
0xcc: {  	s0 =	sadd.s32 $0x8F2B, s0  }
0xcd: {  	[sflag:s0] =	ssyncadd.remote.s32 $0x1  }
0xce: {  	_ =	sfence.sel $0xFFFF  }
0xcf: {  	[dreg:$0x0] =	wrdreg $0xFFFFFFFF;
	(pc) =	sbr.abs _section_cstart, $3  }
0xd0: {  	[dreg:$0x1] =	wrdreg $0xFFFFFFFF  }
0xd1: {  	_ =	task.clear_ibuf [dreg:s22], $0x2FFFF;
	_ =	strace $0x9FFFFFFF  }
0xd2: {  	(tm) =	ssettm $0x7FFFFFFF  }
0xd3: {  	_ =	shalt  }
tec
execute0_lowered:
.L_overlay_start_1:
0x0: {  	(tag) =	ssettag $0x1  }
0x1: {  	s0 =	rddreg [dreg:$0x0]  }
0x2: {  	s2 =	rddreg [dreg:$0x2]  }
0x3: {  	s3 =	simm.s32 $0x0;
	s1 =	srdreg.scid;
	s14 =	stileid.u32  }
0x4: {  	s19 =	simm.s32 $0x4100;
	s20 =	simm.s32 $0x1;
	s29 =	simm.s32 $0x0  }
0x5: {  	[smem:$0x7FF] =	sst s3;
	s1 =	sand.u32 $0x1, s1;
	s16 =	smul.u32 $0x4E200, s14  }
0x6: {  	s4 =	sshll.u32 s14, $0x1;
	s12 =	sadd.s32 $0x1876A00, s0;
	s18 =	smul.u32 $0x4E20, s14  }
0x7: {  	p0 =	sne.s32 s14, $0x0;
	_ =	strace $0x8000004D;
	s13 =	smul.u32 $0x27100, s1  }
0x8: {  	s5 =	sor.u32 s1, s4;
	s6 =	ssub.s32 $0x2, s1;
	s1 =	smul.u32 $0x2710, s1  }
0x9: {  	s4 =	sadd.s32 $0x2C00, s0;
	s8 =	smul.u32 $0x2710, s5;
	s7 =	sshrl.u32 s6, $0x1  }
0xa: {  	s10 =	smul.u32 $0x27100, s5;
	s26 =	sadd.s32 s16, s12;
	s16 =	sshrl.u32 @!p0 s2, $0x3  }
0xb: {  	s0 =	sadd.s32 s13, s0;
	s15 =	ssub.s32 s6, s7;
	s1 =	sadd.s32 s1, s18  }
0xc: {  	s28 =	sadd.s32 s13, s26;
	s18 =	simm.s32 $0x4080;
	s26 =	simm.s32 $0x8180  }
0xd: {  	s9 =	sshrl.u32 s8, $0x3;
	s11 =	sadd.s32 $0x2700, s8;
	s6 =	sadd.s32 s12, s10  }
0xe: {  	s17 =	sadd.s32 $0x2680, s8;
	s10 =	smax.u32 s15, $0x1;
	s30 =	sadd.s32 $0x80, s1  }
0xf: {  	s13 =	sadd.s32 $0x1000, s28;
	s14 =	sadd.s32 $0x100, s1;
	s21 =	sadd.s32 s4, s9  }
0x10: {  	s22 =	sshrl.u32 s11, $0x3;
	s23 =	sshll.u32 s11, $0x4;
	s24 =	sshrl.u32 s17, $0x3  }
0x11: {  	s9 =	sadd.s32 $0x5AC00, s0;
	s25 =	sshll.u32 s17, $0x4;
	s31 =	sshrl.u32 s30, $0x3  }
0x12: {  	s17 =	simm.s32 $0x80;
	[dreg:$0x4] =	wrdreg s21;
	s7 =	sadd.s32 s4, s22  }
0x13: {  	s8 =	sadd.s32 s12, s23;
	s11 =	sadd.s32 s4, s24;
	s12 =	sadd.s32 s12, s25  }
0x14: {  	s15 =	sadd.s32 s31, s4;
	s21 =	simm.s32 $0x2;
	s22 =	simm.s32 $0x5  }
0x15: {  	s23 =	simm.s32 $0x3;
	s24 =	simm.s32 $0x4;
	s25 =	simm.s32 $0x8100  }
.LBB2_1:
0x16: {  	s0 =	simm.s32 @!p0 $0x1C05;
	s1 =	rddreg [dreg:$0x1]  }
0x17: {  	[spmem:s16], [sflag:s0] =	dma.local @!p0 [hbm:s1], $0x27100  }
0x18: {  	s0 =	simm.s32 @!p0 $0x5  }
0x19: {  	_ =	swait.ge @!p0 [sflag:s0], $0x27100  }
0x1a: {  	[sflag:s0] =	ssyncset.done @!p0 $0x0  }
0x1b: {  	[sflag:s0] =	ssyncadd.s32 @!p0 $0xFFFD8F00  }
0x1c: {  	[bflag:$0x0] =	sbarrier.arrive $0xFFFF  }
0x1d: {  	s28 =	rddreg [dreg:$0x4]  }
0x1e: {  	[tilespmem:s3], [sflag:$0x1] =	stream.linear.gather [hbm4b:s28+s3], $0x80, $0x38;
	[tilespmem:$0x1C200] =	vst v63  }
0x1f: {  	_ = 	snop  }
0x20: {  	[tilespmem:s17], [sflag:$0x2] =	stream.linear.gather [hbm4b:s6+s3], $0x4000, $0x38;
	[tilespmem:$0x1C200] =	vst v63  }
0x21: {  	s1 =	sadd.s32 $0x0, s15  }
0x22: {  	[tilespmem:s18], [sflag:$0x3] =	stream.linear.gather [hbm4b:s1+s3], $0x80, $0x38;
	[tilespmem:$0x1C200] =	vst v63  }
0x23: {  	s5 =	sadd.s32 $0xFFFFF800, s13  }
0x24: {  	[tilespmem:s19], [sflag:$0x4] =	stream.linear.gather [hbm4b:s5+s3], $0x4000, $0x38;
	[tilespmem:$0x1C200] =	vst v63  }
0x25: {  	_ =	swait.ge [sflag:s20], $0x80  }
0x26: {  	[sflag:s20] =	ssyncset.done $0x0  }
0x27: {  	[sflag:s20] =	ssyncadd.s32 $0xFFFFFF80  }
0x28: {  	_ =	swait.ge [sflag:s21], $0x4000  }
0x29: {  	[sflag:s21] =	ssyncset.done $0x0  }
0x2a: {  	[sflag:s21] =	ssyncadd.s32 $0xFFFFC000  }
0x2b: {  	[spmem:s2] =	stream.indirect.scatter.add.f32 [tilespmem:s17], [sflag:$0x5], $0x80, s3, s17, $0xb8;
	[tilespmem:$0x1C200] =	vst v63  }
0x2c: {  	_ =	swait.ge [sflag:s22], $0x4000  }
0x2d: {  	s28 =	sshrl.u32 s14, $0x3;
	[sflag:s22] =	ssyncset.done $0x0  }
0x2e: {  	s0 =	sadd.s32 s4, s28;
	[sflag:s22] =	ssyncadd.s32 $0xFFFFC000  }
0x2f: {  	[tilespmem:s3], [sflag:$0x1] =	stream.linear.gather [hbm4b:s0+s3], $0x80, $0x38;
	[tilespmem:$0x1C200] =	vst v63  }
0x30: {  	_ = 	snop  }
0x31: {  	[tilespmem:s17], [sflag:$0x2] =	stream.linear.gather [hbm4b:s13+s3], $0x4000, $0x38;
	[tilespmem:$0x1C200] =	vst v63  }
0x32: {  	_ =	swait.ge [sflag:s23], $0x80  }
0x33: {  	[sflag:s23] =	ssyncset.done $0x0  }
0x34: {  	[sflag:s23] =	ssyncadd.s32 $0xFFFFFF80  }
0x35: {  	_ =	swait.ge [sflag:s24], $0x4000  }
0x36: {  	[sflag:s24] =	ssyncset.done $0x0  }
0x37: {  	[sflag:s24] =	ssyncadd.s32 $0xFFFFC000  }
0x38: {  	[spmem:s2] =	stream.indirect.scatter.add.f32 [tilespmem:s19], [sflag:$0x5], $0x80, s18, s17, $0xb8;
	[tilespmem:$0x1C200] =	vst v63  }
0x39: {  	s30 =	sadd.s32 $0x1000, s13;
	s31 =	sadd.s32 $0x100, s14;
	_ =	swait.ge [sflag:s22], $0x4000  }
0x3a: {  	s1 =	simm.s32 $0x40;
	s0 =	simm.s32 $0x20;
	[sflag:s22] =	ssyncset.done $0x0  }
.LBB2_2:
0x3b: {  	s28 =	sadd.s32 s0, s15  }
0x3c: {  	[sflag:s22] =	ssyncadd.s32 $0xFFFFC000;
	s0 =	smov.u32 s1;
	s5 =	sadd.s32 $0x20, s1  }
0x3d: {  	[tilespmem:s18], [sflag:$0x3] =	stream.linear.gather [hbm4b:s28+s3], $0x80, $0x38;
	[tilespmem:$0x1C200] =	vst v63  }
0x3e: {  	p1 =	sne.s32 s1, $0x4A0;
	s1 =	sadd.s32 $0xFFFFF800, s30  }
0x3f: {  	[tilespmem:s19], [sflag:$0x4] =	stream.linear.gather [hbm4b:s1+s3], $0x4000, $0x38;
	[tilespmem:$0x1C200] =	vst v63  }
0x40: {  	_ =	swait.ge [sflag:s20], $0x80  }
0x41: {  	[sflag:s20] =	ssyncset.done $0x0  }
0x42: {  	[sflag:s20] =	ssyncadd.s32 $0xFFFFFF80  }
0x43: {  	_ =	swait.ge [sflag:s21], $0x4000  }
0x44: {  	[sflag:s21] =	ssyncset.done $0x0  }
0x45: {  	[sflag:s21] =	ssyncadd.s32 $0xFFFFC000  }
0x46: {  	[spmem:s2] =	stream.indirect.scatter.add.f32 [tilespmem:s17], [sflag:$0x5], $0x80, s3, s17, $0xb8;
	[tilespmem:$0x1C200] =	vst v63  }
0x47: {  	_ =	swait.ge [sflag:s22], $0x4000  }
0x48: {  	s1 =	sshrl.u32 s31, $0x3;
	[sflag:s22] =	ssyncset.done $0x0  }
0x49: {  	s1 =	sadd.s32 s4, s1;
	[sflag:s22] =	ssyncadd.s32 $0xFFFFC000  }
0x4a: {  	[tilespmem:s3], [sflag:$0x1] =	stream.linear.gather [hbm4b:s1+s3], $0x80, $0x38;
	[tilespmem:$0x1C200] =	vst v63  }
0x4b: {  	_ = 	snop  }
0x4c: {  	[tilespmem:s17], [sflag:$0x2] =	stream.linear.gather [hbm4b:s30+s3], $0x4000, $0x38;
	[tilespmem:$0x1C200] =	vst v63  }
0x4d: {  	_ =	swait.ge [sflag:s23], $0x80  }
0x4e: {  	[sflag:s23] =	ssyncset.done $0x0  }
0x4f: {  	[sflag:s23] =	ssyncadd.s32 $0xFFFFFF80  }
0x50: {  	_ =	swait.ge [sflag:s24], $0x4000  }
.Ltmp0:
0x51: {  	[sflag:s24] =	ssyncset.done $0x0;
	(pc) =	sbr.rel @p1 .LBB2_2-.Ltmp0, $4  }
0x52: {  	[sflag:s24] =	ssyncadd.s32 $0xFFFFC000  }
0x53: {  	[spmem:s2] =	stream.indirect.scatter.add.f32 [tilespmem:s19], [sflag:$0x5], $0x80, s18, s17, $0xb8;
	[tilespmem:$0x1C200] =	vst v63  }
0x54: {  	s31 =	sadd.s32 $0x100, s31;
	_ =	swait.ge [sflag:s22], $0x4000  }
0x55: {  	s1 =	smov.u32 s5;
	s30 =	sadd.s32 $0x1000, s30;
	[sflag:s22] =	ssyncset.done $0x0  }
0x56: {  	s0 =	sadd.s32 s0, s15;
	[sflag:s22] =	ssyncadd.s32 $0xFFFFC000  }
0x57: {  	[tilespmem:s18], [sflag:$0x3] =	stream.linear.gather [hbm4b:s0+s3], $0x80, $0x38;
	[tilespmem:$0x1C200] =	vst v63  }
0x58: {  	s5 =	sadd.s32 $0xFFFFF800, s30  }
0x59: {  	[tilespmem:s19], [sflag:$0x4] =	stream.linear.gather [hbm4b:s5+s3], $0x4000, $0x38;
	[tilespmem:$0x1C200] =	vst v63  }
0x5a: {  	_ =	swait.ge [sflag:s20], $0x80  }
0x5b: {  	[sflag:s20] =	ssyncset.done $0x0  }
0x5c: {  	[sflag:s20] =	ssyncadd.s32 $0xFFFFFF80  }
0x5d: {  	_ =	swait.ge [sflag:s21], $0x4000  }
0x5e: {  	[sflag:s21] =	ssyncset.done $0x0  }
0x5f: {  	[sflag:s21] =	ssyncadd.s32 $0xFFFFC000  }
0x60: {  	[spmem:s2] =	stream.indirect.scatter.add.f32 [tilespmem:s17], [sflag:$0x5], $0x80, s3, s17, $0xb8;
	[tilespmem:$0x1C200] =	vst v63  }
0x61: {  	_ =	swait.ge [sflag:s22], $0x4000  }
0x62: {  	s28 =	sshrl.u32 s31, $0x3;
	[sflag:s22] =	ssyncset.done $0x0  }
0x63: {  	s0 =	sadd.s32 s4, s28;
	[sflag:s22] =	ssyncadd.s32 $0xFFFFC000  }
0x64: {  	[tilespmem:s3], [sflag:$0x1] =	stream.linear.gather [hbm4b:s0+s3], $0x80, $0x38;
	[tilespmem:$0x1C200] =	vst v63  }
0x65: {  	_ = 	snop  }
0x66: {  	[tilespmem:s17], [sflag:$0x2] =	stream.linear.gather [hbm4b:s30+s3], $0x4000, $0x38;
	[tilespmem:$0x1C200] =	vst v63  }
0x67: {  	_ =	swait.ge [sflag:s23], $0x80  }
0x68: {  	[sflag:s23] =	ssyncset.done $0x0  }
0x69: {  	[sflag:s23] =	ssyncadd.s32 $0xFFFFFF80  }
0x6a: {  	_ =	swait.ge [sflag:s24], $0x4000  }
0x6b: {  	[sflag:s24] =	ssyncset.done $0x0  }
0x6c: {  	[sflag:s24] =	ssyncadd.s32 $0xFFFFC000  }
0x6d: {  	[spmem:s2] =	stream.indirect.scatter.add.f32 [tilespmem:s19], [sflag:$0x5], $0x80, s18, s17, $0xb8;
	[tilespmem:$0x1C200] =	vst v63  }
0x6e: {  	_ =	swait.ge [sflag:s22], $0x4000  }
0x6f: {  	[sflag:s22] =	ssyncset.done $0x0  }
0x70: {  	[sflag:s22] =	ssyncadd.s32 $0xFFFFC000  }
0x71: {  	[tilespmem:s18], [sflag:$0x3] =	stream.linear.gather [hbm4b:s11+s3], $0x80, $0x38;
	[tilespmem:$0x1C200] =	vst v63  }
0x72: {  	_ = 	snop  }
0x73: {  	[tilespmem:s19], [sflag:$0x4] =	stream.linear.gather [hbm4b:s12+s3], $0x4000, $0x38;
	[tilespmem:$0x1C200] =	vst v63  }
0x74: {  	_ =	swait.ge [sflag:s20], $0x80  }
0x75: {  	[sflag:s20] =	ssyncset.done $0x0  }
0x76: {  	[sflag:s20] =	ssyncadd.s32 $0xFFFFFF80  }
0x77: {  	_ =	swait.ge [sflag:s21], $0x4000  }
0x78: {  	[sflag:s21] =	ssyncset.done $0x0  }
0x79: {  	[sflag:s21] =	ssyncadd.s32 $0xFFFFC000  }
0x7a: {  	[spmem:s2] =	stream.indirect.scatter.add.f32 [tilespmem:s17], [sflag:$0x5], $0x80, s3, s17, $0xb8;
	[tilespmem:$0x1C200] =	vst v63  }
0x7b: {  	_ =	swait.ge [sflag:s22], $0x4000  }
0x7c: {  	[sflag:s22] =	ssyncset.done $0x0  }
0x7d: {  	[sflag:s22] =	ssyncadd.s32 $0xFFFFC000  }
0x7e: {  	_ =	swait.ge [sflag:s23], $0x80  }
0x7f: {  	[sflag:s23] =	ssyncset.done $0x0  }
0x80: {  	[sflag:s23] =	ssyncadd.s32 $0xFFFFFF80  }
0x81: {  	_ =	swait.ge [sflag:s24], $0x4000  }
0x82: {  	[sflag:s24] =	ssyncset.done $0x0  }
0x83: {  	[sflag:s24] =	ssyncadd.s32 $0xFFFFC000  }
0x84: {  	[spmem:s2] =	stream.indirect.scatter.add.f32 [tilespmem:s19], [sflag:$0x5], $0x80, s18, s17, $0xb8;
	[tilespmem:$0x1C200] =	vst v63  }
0x85: {  	_ =	swait.ge [sflag:s22], $0x4000  }
0x86: {  	[sflag:s22] =	ssyncset.done $0x0  }
0x87: {  	[sflag:s22] =	ssyncadd.s32 $0xFFFFC000  }
0x88: {  	[tilespmem:s25], [sflag:$0x5] =	stream.linear.gather [hbm4b:s7+s3], $0x10, $0x38;
	[tilespmem:$0x1C200] =	vst v63  }
0x89: {  	_ =	swait.ge [sflag:s22], $0x10  }
0x8a: {  	[sflag:s22] =	ssyncset.done $0x0  }
0x8b: {  	[sflag:s22] =	ssyncadd.s32 $0xFFFFFFF0  }
0x8c: {  	[tilespmem:s26], [sflag:$0x5] =	stream.linear.gather [hbm4b:s8+s3], $0x800, $0x38;
	[tilespmem:$0x1C200] =	vst v63  }
0x8d: {  	_ =	swait.ge [sflag:s22], $0x800  }
0x8e: {  	[sflag:s22] =	ssyncset.done $0x0  }
0x8f: {  	s31 =	simm.s32 $0x10;
	[sflag:s22] =	ssyncadd.s32 $0xFFFFF800  }
0x90: {  	[spmem:s2] =	stream.indirect.scatter.add.f32 [tilespmem:s26], [sflag:$0x5], $0x80, s25, s31, $0xb8;
	[tilespmem:$0x1C200] =	vst v63  }
0x91: {  	_ =	swait.ge [sflag:s22], $0x800  }
0x92: {  	[sflag:s22] =	ssyncset.done $0x0  }
0x93: {  	s29 =	sadd.s32 $0x1, s29;
	[sflag:s22] =	ssyncadd.s32 $0xFFFFF800  }
0x94: {  	p1 =	sne.s32 s29, s10;
	s0 =	simm.s32 @!p0 $0x1C05;
	[bflag:$0x0] =	sbarrier.arrive $0xFFFF  }
0x95: {  	[hbm:s9], [sflag:s0] =	dma.local @!p0 [spmem:s16], $0x27100  }
.Ltmp1:
0x96: {  	_ = 	snop;
	(pc) =	sbr.rel @p1 .LBB2_1-.Ltmp1, $4  }
0x97: {  	s0 =	simm.s32 @!p0 $0x5  }
0x98: {  	_ =	swait.ge @!p0 [sflag:s0], $0x27100  }
0x99: {  	[sflag:s0] =	ssyncset.done @!p0 $0x0  }
0x9a: {  	[sflag:s0] =	ssyncadd.s32 @!p0 $0xFFFD8F00  }
0x9b: {  	_ =	sfence.sel $0x180000  }
0x9c: {  	[bflag:$0x0] =	sbarrier.arrive $0xFFFF  }
0x9d: {  	_ =	strace $0x9000004D  }
0x9e: {  	[bflag:$0x2] =	sbarrier.arrive $0xFFFF  }
0x9f: {  	s0 =	rddreg [dreg:$0x3]  }
0xa0: {  	s0 =	sadd.s32 @!p0 $0x100000, s0  }
0xa1: {  	[sflag:s0] =	ssyncadd.tile.s32 @!p0 $0x1;
	_ =	shalt  }
.Lfunc_end2:
_tile_overlayer_lowered:
.L_overlay_start_2:
0xa2: {  	(tag) =	ssettag $0x2  }
0xa3: {  	s0 =	rddreg [dreg:$0x0];
	s2 =	stileid.u32  }
0xa4: {  	s1 =	rddreg [dreg:$0x1];
	p0 =	sne.s32 s2, $0x0  }
0xa5: {  	s3 =	rddreg [dreg:$0x2];
	[bflag:$0x3] =	sbarrier.arrive $0xFFFF;
	s2 =	simm.s32 @!p0 $0x1C05  }
0xa6: {  	[timem:s3], [sflag:s2] =	dma.local @!p0 [hbm:s0], s1  }
0xa7: {  	s0 =	simm.s32 @!p0 $0x5  }
0xa8: {  	_ =	swait.ge @!p0 [sflag:s0], s1  }
0xa9: {  	s1 =	ssub.s32 @!p0 $0x0, s1;
	[sflag:s0] =	ssyncset.done @!p0 $0x0  }
0xaa: {  	[sflag:s0] =	ssyncadd.s32 @!p0 s1  }
0xab: {  	[bflag:$0x3] =	sbarrier.arrive $0xFFFF  }
0xac: {  	_ =	shalt  }

// kernel: kernel.8.cloned.1.call-start
scs
__scs_entry_jumppad:
0x0: {  	(pc) =	sbr.rel $0x88, $3  }
0x1: {  	(tag) =	ssettag $0x0;
	lr =	simm.s32 $0x1  }
0x2: {  	[smem:$0x3F92] =	sst lr;
	_ =	strace $0xD0000000  }
0x3: {  	_ = 	snop  }
0x4: {  	_ = 	snop  }
0x5: {  	_ = 	snop  }
0x6: {  	_ = 	snop  }
0x7: {  	_ = 	snop  }
__scs_overlays_trampoline_lowered:
0x8: {  	[smem:$0x3FA1] =	sst s0  }
0x9: {  	[smem:$0x3FA2] =	sst s1  }
0xa: {  	[smem:$0x3FA3] =	sst s2  }
0xb: {  	[smem:$0x3FA4] =	sst s3  }
0xc: {  	[smem:$0x3FA5] =	sst s4  }
0xd: {  	[smem:$0x3FA6] =	sst s5  }
0xe: {  	[smem:$0x3FA7] =	sst s6  }
0xf: {  	[smem:$0x3FA8] =	sst s7  }
0x10: {  	[smem:$0x3FA9] =	sst s8  }
0x11: {  	[smem:$0x3FAA] =	sst s9;
	s0 =	simm.s32 @!p0 $0x0  }
0x12: {  	s1 =	sld [smem:$0x3F90];
	s0 =	simm.s32 @p0 $0x1  }
0x13: {  	[smem:$0x3FAB] =	sst s0;
	s0 =	simm.s32 @!p1 $0x0  }
0x14: {  	s2 =	sld [smem:$0x3F8F];
	s0 =	simm.s32 @p1 $0x1  }
0x15: {  	[smem:$0x3FAC] =	sst s0;
	s0 =	simm.s32 @!p2 $0x0  }
0x16: {  	s3 =	sld [smem:$0x3FDB];
	s0 =	simm.s32 @p2 $0x1  }
0x17: {  	s4 =	simm.s32 $0x1BF5;
	[smem:$0x3FAE] =	sst s0  }
0x18: {  	s0 =	sld [smem:$0x3F91];
	_ =	swait.ge [sflag:s4], $0x0  }
0x19: {  	s7 =	sld [smem:$0x3F92]  }
0x1a: {  	s8 =	sadd.s32 $0xFFFFE003, lr  }
0x1b: {  	s9 =	sadd.s32 $0xFFFFFEF7, lr;
	s5 =	simm.s32 $0xFFFFFFFF;
	p2 =	slt.u32 s8, $0xFFFFF086  }
0x1c: {  	p1 =	slt.u32 s9, $0xF7A;
	s5 =	simm.s32 @!p2 $0x0  }
0x1d: {  	s5 =	simm.s32 @p1 $0x1;
	p0 =	seq.s32 s7, s2  }
0x1e: {  	s7 =	smul.u32 @!p0 $0xF7A, s2;
	p2 =	seq.s32 @!p0 s5, $0x0  }
0x1f: {  	s9 =	smul.u32 $0xF7A, s1;
	s8 =	simm.s32 @!p0 $0x1BF5;
	p2 =	por !p2, p0  }
0x20: {  	[sflag:s8] =	ssyncset.s32 @!p0 $0xFFFFF086;
	s6 =	sadd.s32 @!p0 s3, s7;
	s7 =	simm.s32 @!p0 $0x108  }
0x21: {  	s3 =	sadd.s32 s3, s9;
	s6 =	sadd.s32 @!p0 $0x88, s6;
	s7 =	simm.s32 @p2 $0x1082  }
0x22: {  	[simem:s7], [sflag:s8] =	dma.local @!p0 [hbm:s6], $0xF7A  }
0x23: {  	s9 =	sor.u32 $0xD0000000, s2;
	s6 =	simm.s32 $0x108;
	_ =	swait.ge @!p0 [sflag:s8], $0x0  }
0x24: {  	s3 =	sadd.s32 $0x88, s3;
	s6 =	simm.s32 @!p1 $0x1082;
	[sflag:s4] =	ssyncset.s32 $0xFFFFF086  }
0x25: {  	[simem:s6], [sflag:s4] =	dma.local [hbm:s3], $0xF7A  }
0x26: {  	[smem:$0x3F92] =	sst s1;
	(tag) =	ssettag s2;
	_ =	strace s9  }
0x27: {  	s1 =	sld [smem:$0x3FA2]  }
0x28: {  	s2 =	sld [smem:$0x3FA3]  }
0x29: {  	s4 =	sld [smem:$0x3FA5]  }
0x2a: {  	p0 =	seq.s32 s5, $0x0;
	s5 =	sld [smem:$0x3FA6]  }
0x2b: {  	s6 =	sld [smem:$0x3FA7]  }
0x2c: {  	s7 =	sld [smem:$0x3FA8]  }
0x2d: {  	s3 =	simm.s32 $0x108;
	s8 =	sld [smem:$0x3FA9]  }
0x2e: {  	s3 =	simm.s32 @!p0 $0x1082;
	s9 =	sld [smem:$0x3FAA]  }
0x2f: {  	lr =	sadd.s32 s0, s3;
	s0 =	sld [smem:$0x3FA1]  }
0x30: {  	s3 =	sld [smem:$0x3FA4]  }
0x31: {  	[smem:$0x3FAD] =	sst s10  }
0x32: {  	s10 =	sld [smem:$0x3FAB];
	_ =	sdelay $0x3  }
0x33: {  	p0 =	seq.s32 s10, $0x1;
	s10 =	sld [smem:$0x3FAD];
	_ =	sdelay $0x3  }
0x34: {  	[smem:$0x3FAD] =	sst s10  }
0x35: {  	s10 =	sld [smem:$0x3FAC];
	_ =	sdelay $0x3  }
0x36: {  	p1 =	seq.s32 s10, $0x1;
	s10 =	sld [smem:$0x3FAD];
	_ =	sdelay $0x3  }
0x37: {  	[smem:$0x3FAD] =	sst s10  }
0x38: {  	s10 =	sld [smem:$0x3FAE]  }
0x39: {  	_ = 	snop;
	(pc) =	sbr.ind lr, $3  }
0x3a: {  	_ = 	snop  }
0x3b: {  	_ = 	snop  }
0x3c: {  	p2 =	seq.s32 s10, $0x1;
	s10 =	sld [smem:$0x3FAD]  }
0x3d: {  	_ =	shalt  }
0x3e: {  	_ =	shalt  }
0x3f: {  	_ =	shalt  }
0x40: {  	_ =	shalt  }
0x41: {  	_ =	shalt  }
0x42: {  	_ =	shalt  }
0x43: {  	_ =	shalt  }
0x44: {  	_ =	shalt  }
0x45: {  	_ =	shalt  }
0x46: {  	_ =	shalt  }
0x47: {  	_ =	shalt  }
0x48: {  	_ =	shalt  }
0x49: {  	_ =	shalt  }
0x4a: {  	_ =	shalt  }
0x4b: {  	_ =	shalt  }
0x4c: {  	_ =	shalt  }
0x4d: {  	_ =	shalt  }
0x4e: {  	_ =	shalt  }
0x4f: {  	_ =	shalt  }
0x50: {  	_ =	shalt  }
0x51: {  	_ =	shalt  }
0x52: {  	_ =	shalt  }
0x53: {  	_ =	shalt  }
0x54: {  	_ =	shalt  }
0x55: {  	_ =	shalt  }
0x56: {  	_ =	shalt  }
0x57: {  	_ =	shalt  }
0x58: {  	_ =	shalt  }
0x59: {  	_ =	shalt  }
0x5a: {  	_ =	shalt  }
0x5b: {  	_ =	shalt  }
0x5c: {  	_ =	shalt  }
0x5d: {  	_ =	shalt  }
0x5e: {  	_ =	shalt  }
0x5f: {  	_ =	shalt  }
0x60: {  	_ =	shalt  }
0x61: {  	_ =	shalt  }
0x62: {  	_ =	shalt  }
0x63: {  	_ =	shalt  }
0x64: {  	_ =	shalt  }
0x65: {  	_ =	shalt  }
0x66: {  	_ =	shalt  }
0x67: {  	_ =	shalt  }
0x68: {  	_ =	shalt  }
0x69: {  	_ =	shalt  }
0x6a: {  	_ =	shalt  }
0x6b: {  	_ =	shalt  }
0x6c: {  	_ =	shalt  }
0x6d: {  	_ =	shalt  }
0x6e: {  	_ =	shalt  }
0x6f: {  	_ =	shalt  }
0x70: {  	_ =	shalt  }
0x71: {  	_ =	shalt  }
0x72: {  	_ =	shalt  }
0x73: {  	_ =	shalt  }
0x74: {  	_ =	shalt  }
0x75: {  	_ =	shalt  }
0x76: {  	_ =	shalt  }
0x77: {  	_ =	shalt  }
0x78: {  	_ =	shalt  }
0x79: {  	_ =	shalt  }
0x7a: {  	_ =	shalt  }
0x7b: {  	_ =	shalt  }
0x7c: {  	_ =	shalt  }
0x7d: {  	_ =	shalt  }
0x7e: {  	_ =	shalt  }
0x7f: {  	_ =	shalt  }
0x80: {  	_ =	shalt  }
0x81: {  	_ =	shalt  }
0x82: {  	_ =	shalt  }
0x83: {  	_ =	shalt  }
0x84: {  	_ =	shalt  }
0x85: {  	_ =	shalt  }
0x86: {  	_ =	shalt  }
0x87: {  	_ =	shalt  }
.Lfunc_end0:
.L_simem_size_0:
called_computation_lowered:
.L_overlay_start_0:
0x88: {  	s2 =	sld [smem:$0x3FD9]  }
0x89: {  	s3 =	sld [smem:$0x3FFE];
	_ =	sdelay $0x1  }
0x8a: {  	s1 =	srdreg.scid  }
0x8b: {  	s0 =	sand.u32 $0x1, s1  }
0x8c: {  	s17 =	sshll.u32 s0, $0xA;
	s2 =	sadd.s32 s3, s2  }
0x8d: {  	s2 =	sadd.s32 s2, s17  }
0x8e: {  	[smem:$0x3FB9] =	sst s2  }
0x8f: {  	_ = 	snop  }
0x90: {  	s2 =	sld [smem:$0x3FC9]  }
0x91: {  	s18 =	sld [smem:$0x3FD0];
	(tm) =	ssettm $0x1  }
0x92: {  	s4 =	sld [smem:$0x3FFB];
	_ =	sdelay $0x3  }
0x93: {  	_ =	strace s4  }
0x94: {  	s4 =	sld [smem:$0x3FFC];
	_ =	sdelay $0x3  }
0x95: {  	_ =	strace s4  }
0x96: {  	s4 =	sld [smem:$0x3FFD];
	_ =	sdelay $0x3  }
0x97: {  	_ =	strace s4  }
0x98: {  	_ =	strace $0x8FFFFFFF  }
0x99: {  	s19 =	sld [smem:$0x3FDB];
	_ =	sdelay $0x1  }
0x9a: {  	s5 =	simm.s32 $_scs_section_size  }
0x9b: {  	s6 =	simm.s32 $_size__tile_overlayer_lowered;
	s7 =	simm.s32 $_tile_overlayer_lowered  }
0x9c: {  	s22 =	simm.s32 $0x1BFF;
	s21 =	sshll.u32 s7, $0x1;
	s4 =	sadd.s32 s5, s19  }
0x9d: {  	s8 =	simm.s32 $0x0;
	s20 =	sshll.u32 s6, $0x1;
	s6 =	sadd.s32 s21, s4  }
0x9e: {  	[timem:s8], [sflag:s22] =	dma.local [hbm:s6], s20  }
0x9f: {  	_ =	swait.ge [sflag:s22], s20  }
0xa0: {  	s5 =	ssub.s32 $0x0, s20;
	[sflag:s22] =	ssyncset.done $0x0  }
0xa1: {  	[sflag:s22] =	ssyncadd.s32 s5;
	_ =	sdelay $0x1  }
0xa2: {  	s23 =	simm.s32 $0x1B8B  }
0xa3: {  	_ =	swait.ge [sflag:s23], $0x1  }
0xa4: {  	[sflag:s23] =	ssyncset.done $0x0  }
0xa5: {  	s25 =	simm.s32 $0x1B8E;
	s24 =	sld [smem:$0x3FFE];
	[sflag:s23] =	ssyncadd.s32 $0xFFFFFFFF  }
0xa6: {  	s26 =	simm.s32 $execute0_lowered;
	[smem:$0x3FD2] =	sst s25  }
0xa7: {  	s6 =	sshll.u32 s26, $0x1;
	_ =	strace $0x80000046;
	[dreg:$0x1] =	wrdreg $0xFFFFFFFF  }
0xa8: {  	s28 =	simm.s32 $_size_execute0_lowered;
	s4 =	sadd.s32 s4, s6;
	[dreg:$0x0] =	wrdreg $0x0  }
0xa9: {  	s6 =	sshll.u32 s28, $0x1;
	[dreg:$0x2] =	wrdreg s4  }
0xaa: {  	[dreg:$0x3] =	wrdreg s6  }
0xab: {  	[dreg:$0x4] =	wrdreg $0xC0  }
0xac: {  	_ =	task [dreg:s8], $0x5FFFF  }
0xad: {  	[dreg:$0x1] =	wrdreg $0xFFFFFFFF  }
0xae: {  	[dreg:$0x0] =	wrdreg $0x60  }
0xaf: {  	[dreg:$0x2] =	wrdreg s2  }
0xb0: {  	[dreg:$0x3] =	wrdreg s18  }
0xb1: {  	[dreg:$0x4] =	wrdreg s24  }
0xb2: {  	[dreg:$0x5] =	wrdreg $0x9  }
0xb3: {  	_ =	task.clear_ibuf [dreg:s8], $0x6FFFF;
	_ =	strace $0x90000046  }
0xb4: {  	s29 =	simm.s32 $0x9;
	_ =	strace $0x80000048  }
0xb5: {  	_ =	swait.ge [sflag:s29], $0x1  }
0xb6: {  	[sflag:s29] =	ssyncadd.s32 $0xFFFFFFFF  }
0xb7: {  	_ =	strace $0x90000048  }
0xb8: {  	_ =	sfence  }
0xb9: {  	s30 =	sld [smem:$0x0];
	_ =	sdelay $0x2  }
0xba: {  	s31 =	sshll.u32 s1, $0xD;
	s1 =	sshrl.u32 s1, $0x2  }
0xbb: {  	s3 =	sand.u32 $0x4000, s31;
	s1 =	sadd.s32 s1, s30  }
0xbc: {  	s0 =	sor.u32 s3, s0;
	s1 =	sshll.u32 s1, $0x11  }
0xbd: {  	s0 =	sor.u32 s1, s0  }
0xbe: {  	s0 =	sadd.s32 $0x8F2B, s0  }
0xbf: {  	[sflag:s0] =	ssyncadd.remote.s32 $0x1  }
0xc0: {  	_ =	sfence.sel $0xFFFF  }
0xc1: {  	[dreg:$0x0] =	wrdreg $0xFFFFFFFF;
	(pc) =	sbr.abs _section_cstart, $3  }
0xc2: {  	[dreg:$0x1] =	wrdreg $0xFFFFFFFF  }
0xc3: {  	_ =	task.clear_ibuf [dreg:s8], $0x2FFFF;
	_ =	strace $0x9FFFFFFF  }
0xc4: {  	(tm) =	ssettm $0x7FFFFFFF  }
0xc5: {  	_ =	shalt  }
tec
execute0_lowered:
.L_overlay_start_1:
0x0: {  	(tag) =	ssettag $0x1  }
0x1: {  	s1 =	rddreg [dreg:$0x0]  }
0x2: {  	s0 =	srdreg.scid;
	s2 =	rddreg [dreg:$0x1]  }
0x3: {  	s16 =	stileid.u32;
	s4 =	rddreg [dreg:$0x2];
	s18 =	simm.s32 $0x2780  }
0x4: {  	s19 =	simm.s32 $0x4F00;
	s20 =	simm.s32 $0x8F00;
	s21 =	simm.s32 $0x80  }
0x5: {  	s28 =	simm.s32 $0x4;
	s31 =	simm.s32 $0x10;
	s12 =	smul.u32 $0x271000, s16  }
0x6: {  	s0 =	sand.u32 $0x1, s0;
	s3 =	sshll.u32 s16, $0x1;
	s16 =	smul.u32 $0x4E200, s16  }
0x7: {  	s29 =	simm.s32 $0x0;
	s14 =	sadd.s32 $0xCA00, s4;
	s13 =	smul.u32 $0x138800, s0  }
0x8: {  	s7 =	sor.u32 s0, s3;
	s9 =	ssub.s32 $0x2, s0;
	s0 =	smul.u32 $0x27100, s0  }
0x9: {  	s15 =	sadd.s32 $0x4EEA00, s4;
	s3 =	simm.s32 $0x0;
	s5 =	smul.u32 $0x2710, s7  }
0xa: {  	[smem:$0x7FF] =	sst s3;
	s6 =	smul.u32 $0x138800, s7;
	s22 =	sshrl.u32 s9, $0x1  }
0xb: {  	s11 =	smul.u32 $0x27100, s7;
	s17 =	sadd.s32 s16, s14;
	s16 =	sadd.s32 s16, s15  }
0xc: {  	_ =	strace $0x80000047;
	s9 =	ssub.s32 s9, s22;
	s13 =	sadd.s32 s13, s12  }
0xd: {  	s17 =	sadd.s32 s0, s17;
	s0 =	sadd.s32 s0, s16;
	s22 =	simm.s32 $0xCF00  }
0xe: {  	s5 =	sshrl.u32 s5, $0x3;
	s10 =	sshrl.u32 s6, $0x3;
	s26 =	sadd.s32 $0x26800, s11  }
0xf: {  	s30 =	sshrl.u32 s13, $0x3;
	s16 =	sadd.s32 $0x800, s0;
	s8 =	sadd.s32 s5, s4  }
0x10: {  	s2 =	sadd.s32 s2, s5;
	s23 =	sadd.s32 $0x27000, s10;
	s25 =	sadd.s32 $0x26000, s10  }
0x11: {  	s11 =	sadd.s32 s14, s26;
	s12 =	sadd.s32 s15, s26;
	s13 =	sadd.s32 s30, s15  }
0x12: {  	s26 =	simm.s32 $0x3;
	[dreg:$0x4] =	wrdreg s2;
	s24 =	sadd.s32 $0x2C00, s8  }
0x13: {  	s6 =	sadd.s32 s14, s23;
	s7 =	sadd.s32 s15, s23;
	s8 =	smax.u32 s9, $0x1  }
0x14: {  	s9 =	sadd.s32 s14, s25;
	s10 =	sadd.s32 s15, s25;
	s14 =	sadd.s32 s30, s14  }
0x15: {  	s15 =	sadd.s32 $0x800, s17;
	s17 =	simm.s32 $0x5;
	s23 =	simm.s32 $0x10F00  }
0x16: {  	s25 =	simm.s32 $0x2;
	[dreg:$0x5] =	wrdreg s24;
	s24 =	simm.s32 $0x1  }
.LBB2_1:
0x17: {  	s0 =	rddreg [dreg:$0x4]  }
0x18: {  	[tilespmem:s3], [sflag:$0x5] =	stream.linear.gather [hbm4b:s0+s3], $0x2710, $0x38;
	[tilespmem:$0x14F00] =	vst v63  }
0x19: {  	_ =	swait.ge [sflag:s17], $0x2710  }
0x1a: {  	[sflag:s17] =	ssyncset.done $0x0  }
0x1b: {  	s5 =	rddreg [dreg:$0x5];
	[sflag:s17] =	ssyncadd.s32 $0xFFFFD8F0  }
0x1c: {  	[tilespmem:s18], [sflag:$0x5] =	stream.linear.gather [hbm4b:s5+s3], $0x2710, $0x38;
	[tilespmem:$0x14F00] =	vst v63  }
0x1d: {  	_ =	swait.ge [sflag:s17], $0x2710  }
0x1e: {  	[sflag:s17] =	ssyncset.done $0x0  }
0x1f: {  	[sflag:s17] =	ssyncadd.s32 $0xFFFFD8F0  }
0x20: {  	[tilespmem:s19], [sflag:$0x1] =	stream.indirect.gather [hbm4b:s1+s21], $0x80, s3, s21, $0xb8;
	[tilespmem:$0x14F00] =	vst v63  }
0x21: {  	_ = 	snop  }
0x22: {  	[tilespmem:s20], [sflag:$0x2] =	stream.indirect.gather [hbm4b:s1+s21], $0x80, s18, s21, $0xb8;
	[tilespmem:$0x14F00] =	vst v63  }
0x23: {  	_ = 	snop  }
0x24: {  	[tilespmem:s22], [sflag:$0x3] =	stream.indirect.gather [hbm4b:s1+s21], $0x80, s21, s21, $0xb8;
	[tilespmem:$0x14F00] =	vst v63  }
0x25: {  	s30 =	simm.s32 $0x2800  }
0x26: {  	[tilespmem:s23], [sflag:$0x4] =	stream.indirect.gather [hbm4b:s1+s21], $0x80, s30, s21, $0xb8;
	[tilespmem:$0x14F00] =	vst v63  }
0x27: {  	_ =	swait.ge [sflag:s24], $0x4000  }
0x28: {  	[sflag:s24] =	ssyncset.done $0x0  }
0x29: {  	s2 =	sadd.s32 $0x0, s14;
	[sflag:s24] =	ssyncadd.s32 $0xFFFFC000  }
0x2a: {  	[hbm4b:s2+s3] =	stream.linear.scatter [tilespmem:s19], [sflag:$0x5], $0x4000, $0x38;
	[tilespmem:$0x14F00] =	vst v63  }
0x2b: {  	_ =	swait.ge [sflag:s17], $0x4000  }
0x2c: {  	[sflag:s17] =	ssyncset.done $0x0  }
0x2d: {  	[sflag:s17] =	ssyncadd.s32 $0xFFFFC000  }
0x2e: {  	_ =	swait.ge [sflag:s25], $0x4000  }
0x2f: {  	[sflag:s25] =	ssyncset.done $0x0  }
0x30: {  	s4 =	sadd.s32 $0x0, s13;
	[sflag:s25] =	ssyncadd.s32 $0xFFFFC000  }
0x31: {  	[hbm4b:s4+s3] =	stream.linear.scatter [tilespmem:s20], [sflag:$0x5], $0x4000, $0x38;
	[tilespmem:$0x14F00] =	vst v63  }
0x32: {  	_ =	swait.ge [sflag:s17], $0x4000  }
0x33: {  	[sflag:s17] =	ssyncset.done $0x0  }
0x34: {  	s5 =	simm.s32 $0x100;
	[sflag:s17] =	ssyncadd.s32 $0xFFFFC000  }
0x35: {  	[tilespmem:s19], [sflag:$0x1] =	stream.indirect.gather [hbm4b:s1+s21], $0x80, s5, s21, $0xb8;
	[tilespmem:$0x14F00] =	vst v63  }
0x36: {  	s2 =	simm.s32 $0x2880  }
0x37: {  	[tilespmem:s20], [sflag:$0x2] =	stream.indirect.gather [hbm4b:s1+s21], $0x80, s2, s21, $0xb8;
	[tilespmem:$0x14F00] =	vst v63  }
0x38: {  	_ =	swait.ge [sflag:s26], $0x4000  }
0x39: {  	[sflag:s26] =	ssyncset.done $0x0  }
0x3a: {  	s4 =	sadd.s32 $0x0, s15;
	[sflag:s26] =	ssyncadd.s32 $0xFFFFC000  }
0x3b: {  	[hbm4b:s4+s3] =	stream.linear.scatter [tilespmem:s22], [sflag:$0x5], $0x4000, $0x38;
	[tilespmem:$0x14F00] =	vst v63  }
0x3c: {  	_ =	swait.ge [sflag:s17], $0x4000  }
0x3d: {  	[sflag:s17] =	ssyncset.done $0x0  }
0x3e: {  	[sflag:s17] =	ssyncadd.s32 $0xFFFFC000  }
0x3f: {  	_ =	swait.ge [sflag:s28], $0x4000  }
0x40: {  	[sflag:s28] =	ssyncset.done $0x0  }
0x41: {  	s5 =	sadd.s32 $0x0, s16;
	[sflag:s28] =	ssyncadd.s32 $0xFFFFC000  }
0x42: {  	[hbm4b:s5+s3] =	stream.linear.scatter [tilespmem:s23], [sflag:$0x5], $0x4000, $0x38;
	[tilespmem:$0x14F00] =	vst v63  }
0x43: {  	_ =	swait.ge [sflag:s17], $0x4000  }
0x44: {  	s0 =	simm.s32 $0x80;
	s2 =	simm.s32 $0x1000;
	[sflag:s17] =	ssyncset.done $0x0  }
.LBB2_2:
0x45: {  	[sflag:s17] =	ssyncadd.s32 $0xFFFFC000;
	s0 =	sadd.s32 $0x100, s0;
	s30 =	sadd.s32 $0x100, s30  }
0x46: {  	[tilespmem:s22], [sflag:$0x3] =	stream.indirect.gather [hbm4b:s1+s21], $0x80, s0, s21, $0xb8;
	[tilespmem:$0x14F00] =	vst v63  }
0x47: {  	p0 =	sne.s32 s2, $0x25000;
	s4 =	smov.u32 s2;
	s2 =	sadd.s32 $0x1000, s2  }
0x48: {  	[tilespmem:s23], [sflag:$0x4] =	stream.indirect.gather [hbm4b:s1+s21], $0x80, s30, s21, $0xb8;
	[tilespmem:$0x14F00] =	vst v63  }
0x49: {  	_ =	swait.ge [sflag:s24], $0x4000  }
0x4a: {  	[sflag:s24] =	ssyncset.done $0x0  }
0x4b: {  	s5 =	sadd.s32 s4, s14;
	[sflag:s24] =	ssyncadd.s32 $0xFFFFC000  }
0x4c: {  	[hbm4b:s5+s3] =	stream.linear.scatter [tilespmem:s19], [sflag:$0x5], $0x4000, $0x38;
	[tilespmem:$0x14F00] =	vst v63  }
0x4d: {  	_ =	swait.ge [sflag:s17], $0x4000  }
0x4e: {  	[sflag:s17] =	ssyncset.done $0x0  }
0x4f: {  	[sflag:s17] =	ssyncadd.s32 $0xFFFFC000  }
0x50: {  	_ =	swait.ge [sflag:s25], $0x4000  }
0x51: {  	[sflag:s25] =	ssyncset.done $0x0  }
0x52: {  	s5 =	sadd.s32 s4, s13;
	[sflag:s25] =	ssyncadd.s32 $0xFFFFC000  }
0x53: {  	[hbm4b:s5+s3] =	stream.linear.scatter [tilespmem:s20], [sflag:$0x5], $0x4000, $0x38;
	[tilespmem:$0x14F00] =	vst v63  }
0x54: {  	_ =	swait.ge [sflag:s17], $0x4000  }
0x55: {  	[sflag:s17] =	ssyncset.done $0x0  }
0x56: {  	s5 =	sadd.s32 $0x80, s0;
	[sflag:s17] =	ssyncadd.s32 $0xFFFFC000  }
0x57: {  	[tilespmem:s19], [sflag:$0x1] =	stream.indirect.gather [hbm4b:s1+s21], $0x80, s5, s21, $0xb8;
	[tilespmem:$0x14F00] =	vst v63  }
0x58: {  	s5 =	sadd.s32 $0x80, s30  }
0x59: {  	[tilespmem:s20], [sflag:$0x2] =	stream.indirect.gather [hbm4b:s1+s21], $0x80, s5, s21, $0xb8;
	[tilespmem:$0x14F00] =	vst v63  }
0x5a: {  	_ =	swait.ge [sflag:s26], $0x4000  }
0x5b: {  	[sflag:s26] =	ssyncset.done $0x0  }
0x5c: {  	s5 =	sadd.s32 s4, s15;
	[sflag:s26] =	ssyncadd.s32 $0xFFFFC000  }
0x5d: {  	[hbm4b:s5+s3] =	stream.linear.scatter [tilespmem:s22], [sflag:$0x5], $0x4000, $0x38;
	[tilespmem:$0x14F00] =	vst v63  }
0x5e: {  	_ =	swait.ge [sflag:s17], $0x4000  }
0x5f: {  	[sflag:s17] =	ssyncset.done $0x0  }
0x60: {  	[sflag:s17] =	ssyncadd.s32 $0xFFFFC000  }
0x61: {  	_ =	swait.ge [sflag:s28], $0x4000  }
.Ltmp0:
0x62: {  	[sflag:s28] =	ssyncset.done $0x0;
	(pc) =	sbr.rel @p0 .LBB2_2-.Ltmp0, $4  }
0x63: {  	s4 =	sadd.s32 s4, s16;
	[sflag:s28] =	ssyncadd.s32 $0xFFFFC000  }
0x64: {  	[hbm4b:s4+s3] =	stream.linear.scatter [tilespmem:s23], [sflag:$0x5], $0x4000, $0x38;
	[tilespmem:$0x14F00] =	vst v63  }
0x65: {  	_ =	swait.ge [sflag:s17], $0x4000  }
0x66: {  	[sflag:s17] =	ssyncset.done $0x0  }
0x67: {  	[sflag:s17] =	ssyncadd.s32 $0xFFFFC000;
	s0 =	simm.s32 $0x2680  }
0x68: {  	[tilespmem:s22], [sflag:$0x3] =	stream.indirect.gather [hbm4b:s1+s21], $0x80, s0, s21, $0xb8;
	[tilespmem:$0x14F00] =	vst v63  }
0x69: {  	s4 =	simm.s32 $0x4E00  }
0x6a: {  	[tilespmem:s23], [sflag:$0x4] =	stream.indirect.gather [hbm4b:s1+s21], $0x80, s4, s21, $0xb8;
	[tilespmem:$0x14F00] =	vst v63  }
0x6b: {  	_ =	swait.ge [sflag:s24], $0x4000  }
0x6c: {  	[sflag:s24] =	ssyncset.done $0x0  }
0x6d: {  	[sflag:s24] =	ssyncadd.s32 $0xFFFFC000  }
0x6e: {  	[hbm4b:s9+s3] =	stream.linear.scatter [tilespmem:s19], [sflag:$0x5], $0x4000, $0x38;
	[tilespmem:$0x14F00] =	vst v63  }
0x6f: {  	_ =	swait.ge [sflag:s17], $0x4000  }
0x70: {  	[sflag:s17] =	ssyncset.done $0x0  }
0x71: {  	[sflag:s17] =	ssyncadd.s32 $0xFFFFC000  }
0x72: {  	_ =	swait.ge [sflag:s25], $0x4000  }
0x73: {  	[sflag:s25] =	ssyncset.done $0x0  }
0x74: {  	[sflag:s25] =	ssyncadd.s32 $0xFFFFC000  }
0x75: {  	[hbm4b:s10+s3] =	stream.linear.scatter [tilespmem:s20], [sflag:$0x5], $0x4000, $0x38;
	[tilespmem:$0x14F00] =	vst v63  }
0x76: {  	_ =	swait.ge [sflag:s17], $0x4000  }
0x77: {  	[sflag:s17] =	ssyncset.done $0x0  }
0x78: {  	[sflag:s17] =	ssyncadd.s32 $0xFFFFC000  }
0x79: {  	_ =	swait.ge [sflag:s26], $0x4000  }
0x7a: {  	[sflag:s26] =	ssyncset.done $0x0  }
0x7b: {  	[sflag:s26] =	ssyncadd.s32 $0xFFFFC000  }
0x7c: {  	[hbm4b:s11+s3] =	stream.linear.scatter [tilespmem:s22], [sflag:$0x5], $0x4000, $0x38;
	[tilespmem:$0x14F00] =	vst v63  }
0x7d: {  	_ =	swait.ge [sflag:s17], $0x4000  }
0x7e: {  	[sflag:s17] =	ssyncset.done $0x0  }
0x7f: {  	[sflag:s17] =	ssyncadd.s32 $0xFFFFC000  }
0x80: {  	_ =	swait.ge [sflag:s28], $0x4000  }
0x81: {  	[sflag:s28] =	ssyncset.done $0x0  }
0x82: {  	[sflag:s28] =	ssyncadd.s32 $0xFFFFC000  }
0x83: {  	[hbm4b:s12+s3] =	stream.linear.scatter [tilespmem:s23], [sflag:$0x5], $0x4000, $0x38;
	[tilespmem:$0x14F00] =	vst v63  }
0x84: {  	_ =	swait.ge [sflag:s17], $0x4000  }
0x85: {  	[sflag:s17] =	ssyncset.done $0x0  }
0x86: {  	s5 =	simm.s32 $0x2700;
	[sflag:s17] =	ssyncadd.s32 $0xFFFFC000  }
0x87: {  	[tilespmem:s19], [sflag:$0x1] =	stream.indirect.gather [hbm4b:s1+s31], $0x80, s5, s31, $0xb8;
	[tilespmem:$0x14F00] =	vst v63  }
0x88: {  	_ =	swait.ge [sflag:s24], $0x800  }
0x89: {  	[sflag:s24] =	ssyncset.done $0x0  }
0x8a: {  	[sflag:s24] =	ssyncadd.s32 $0xFFFFF800  }
0x8b: {  	[hbm4b:s6+s3] =	stream.linear.scatter [tilespmem:s19], [sflag:$0x5], $0x800, $0x38;
	[tilespmem:$0x14F00] =	vst v63  }
0x8c: {  	_ =	swait.ge [sflag:s17], $0x800  }
0x8d: {  	[sflag:s17] =	ssyncset.done $0x0  }
0x8e: {  	s30 =	simm.s32 $0x4E80;
	[sflag:s17] =	ssyncadd.s32 $0xFFFFF800  }
0x8f: {  	[tilespmem:s20], [sflag:$0x2] =	stream.indirect.gather [hbm4b:s1+s31], $0x80, s30, s31, $0xb8;
	[tilespmem:$0x14F00] =	vst v63  }
0x90: {  	s29 =	sadd.s32 $0x1, s29;
	_ =	swait.ge [sflag:s25], $0x800  }
0x91: {  	p0 =	sne.s32 s29, s8;
	[sflag:s25] =	ssyncset.done $0x0  }
.Ltmp1:
0x92: {  	[sflag:s25] =	ssyncadd.s32 $0xFFFFF800;
	(pc) =	sbr.rel @p0 .LBB2_1-.Ltmp1, $4  }
0x93: {  	[hbm4b:s7+s3] =	stream.linear.scatter [tilespmem:s20], [sflag:$0x5], $0x800, $0x38;
	[tilespmem:$0x14F00] =	vst v63  }
0x94: {  	_ =	swait.ge [sflag:s17], $0x800  }
0x95: {  	[sflag:s17] =	ssyncset.done $0x0  }
0x96: {  	[sflag:s17] =	ssyncadd.s32 $0xFFFFF800  }
0x97: {  	_ =	sfence.sel $0x180000  }
0x98: {  	[bflag:$0x0] =	sbarrier.arrive $0xFFFF  }
0x99: {  	_ =	strace $0x90000047  }
0x9a: {  	s0 =	stileid.u32;
	[bflag:$0x2] =	sbarrier.arrive $0xFFFF  }
0x9b: {  	p0 =	sne.s32 s0, $0x0;
	s0 =	rddreg [dreg:$0x3]  }
0x9c: {  	s0 =	sadd.s32 @!p0 $0x100000, s0  }
0x9d: {  	[sflag:s0] =	ssyncadd.tile.s32 @!p0 $0x1;
	_ =	shalt  }
.Lfunc_end2:
_tile_overlayer_lowered:
.L_overlay_start_2:
0x9e: {  	(tag) =	ssettag $0x2  }
0x9f: {  	s0 =	rddreg [dreg:$0x0];
	s2 =	stileid.u32  }
0xa0: {  	s1 =	rddreg [dreg:$0x1];
	p0 =	sne.s32 s2, $0x0  }
0xa1: {  	s3 =	rddreg [dreg:$0x2];
	[bflag:$0x3] =	sbarrier.arrive $0xFFFF;
	s2 =	simm.s32 @!p0 $0x1C05  }
0xa2: {  	[timem:s3], [sflag:s2] =	dma.local @!p0 [hbm:s0], s1  }
0xa3: {  	s0 =	simm.s32 @!p0 $0x5  }
0xa4: {  	_ =	swait.ge @!p0 [sflag:s0], s1  }
0xa5: {  	s1 =	ssub.s32 @!p0 $0x0, s1;
	[sflag:s0] =	ssyncset.done @!p0 $0x0  }
0xa6: {  	[sflag:s0] =	ssyncadd.s32 @!p0 s1  }
0xa7: {  	[bflag:$0x3] =	sbarrier.arrive $0xFFFF  }
0xa8: {  	_ =	shalt  }

</sc_bundles>
